<compile_context>
chip_gen: v7x
topology: tpu7x:2x2x1
jax: 0.10.2.dev20260603
libtpu: 0.0.44.dev20260713+nightly
codegen_flags: <defaults>
</compile_context>

<pallas_src>
import functools

import jax
import jax.numpy as jnp
from jax import lax
from jax.experimental import pallas as pl
from jax.experimental.pallas import tpu as pltpu
from jax.experimental.pallas import tpu_sc as plsc

N = 10000
D = 128
E = 320000
NC, NS = 2, 16
NW = NC * NS
NBUF = 3
CH = 80
EPW = E // NW
CPW = EPW // CH
GTRIPS = CPW // NBUF - 1
RPT = 640
NP = NS * RPT


def _sc_aggregate(x, ei, zeros, zeros_c):
  mesh = plsc.VectorSubcoreMesh(
      core_axis_name="c", subcore_axis_name="s",
      num_cores=NC, num_subcores=NS)

  @functools.partial(
      pl.kernel,
      name="rgcn_sc_aggregate",
      out_type=[jax.ShapeDtypeStruct((NP, D), jnp.float32),
                jax.ShapeDtypeStruct((NP, D), jnp.float32),
                jax.ShapeDtypeStruct((NP, 16), jnp.float32),
                jax.ShapeDtypeStruct((NP, 16), jnp.float32)],
      mesh=mesh,
      compiler_params=pltpu.CompilerParams(use_tc_tiling_on_sc=False),
      scratch_types=[
          [pltpu.VMEM((CH,), jnp.int32)] * NBUF,
          [pltpu.VMEM((CH,), jnp.int32)] * NBUF,
          [pltpu.VMEM((CH, D), jnp.float32)] * NBUF,
          pltpu.VMEM((CH, 16), jnp.float32),
          pltpu.VMEM_SHARED((NP, D), jnp.float32),
          pltpu.VMEM_SHARED((NP, 16), jnp.float32),
          [pltpu.SemaphoreType.DMA] * NBUF,
          [pltpu.SemaphoreType.DMA] * NBUF,
          [pltpu.SemaphoreType.DMA] * NBUF,
          pltpu.SemaphoreType.DMA,
          pltpu.SemaphoreType.DMA,
      ],
  )
  def body(x_hbm, ei_hbm, zeros_hbm, zeros_c_hbm,
           out0_hbm, out1_hbm, cout0_hbm, cout1_hbm,
           srcbs, dstbs, rows, ones_v, acc_sh, cnt_sh, semg, semsi, semd,
           semfs, semos):
    cid = lax.axis_index("c")
    sid = lax.axis_index("s")
    wid = cid * NS + sid
    base = sid * RPT
    ebase = wid * EPW

    def src_at(c):
      return ei_hbm.at[0, pl.ds(ebase + c * CH, CH)]

    def dst_at(c):
      return ei_hbm.at[1, pl.ds(ebase + c * CH, CH)]

    def wait_rows(buf_v, sem):
      pltpu.make_async_copy(zeros_hbm.at[pl.ds(0, CH)], buf_v, sem).wait()

    def wait_idx(buf_v, sem):
      pltpu.make_async_copy(ei_hbm.at[0, pl.ds(0, CH)], buf_v, sem).wait()

    for k in range(NBUF):
      pltpu.async_copy(src_at(k), srcbs[k], semsi[k])
      pltpu.async_copy(dst_at(k), dstbs[k], semd[k])
    for k in range(NBUF):
      wait_idx(srcbs[k], semsi[k])
      pltpu.async_copy(x_hbm.at[srcbs[k]], rows[k], semg[k])
    pltpu.sync_copy(zeros_hbm.at[pl.ds(base, RPT)],
                    acc_sh.at[pl.ds(base, RPT)])
    pltpu.sync_copy(zeros_c_hbm.at[pl.ds(base, RPT)],
                    cnt_sh.at[pl.ds(base, RPT)])

    def fill_ones(r, carry):
      ones_v[r, :] = jnp.ones((16,), jnp.float32)
      return carry

    lax.fori_loop(0, CH, fill_ones, 0)
    plsc.subcore_barrier()

    def step(k, a, refill):
      wait_rows(rows[k], semg[k])
      if refill:
        pltpu.async_copy(src_at(a + NBUF), srcbs[k], semsi[k])
      wait_idx(dstbs[k], semd[k])
      cp_f = pltpu.async_copy(rows[k], acc_sh.at[dstbs[k]], semfs, add=True)
      cp_o = pltpu.async_copy(ones_v, cnt_sh.at[dstbs[k]], semos, add=True)
      cp_f.wait()
      if refill:
        wait_idx(srcbs[k], semsi[k])
        pltpu.async_copy(x_hbm.at[srcbs[k]], rows[k], semg[k])
      cp_o.wait()
      if refill:
        pltpu.async_copy(dst_at(a + NBUF), dstbs[k], semd[k])

    def rotation(g, carry):
      a0 = NBUF * g
      for k in range(NBUF):
        step(k, a0 + k, True)
      return carry

    lax.fori_loop(0, GTRIPS, rotation, 0)
    left = CPW - NBUF * GTRIPS
    for j in range(left):
      k = j % NBUF
      step(k, NBUF * GTRIPS + j, j < left - NBUF)
    plsc.subcore_barrier()

    @pl.when(cid == 0)
    def _():
      pltpu.sync_copy(acc_sh.at[pl.ds(base, RPT)],
                      out0_hbm.at[pl.ds(base, RPT)])
      pltpu.sync_copy(cnt_sh.at[pl.ds(base, RPT)],
                      cout0_hbm.at[pl.ds(base, RPT)])

    @pl.when(cid == 1)
    def _():
      pltpu.sync_copy(acc_sh.at[pl.ds(base, RPT)],
                      out1_hbm.at[pl.ds(base, RPT)])
      pltpu.sync_copy(cnt_sh.at[pl.ds(base, RPT)],
                      cout1_hbm.at[pl.ds(base, RPT)])

  return body(x, ei, zeros, zeros_c)


def _tc_combine(x, p0, p1, c0, c1, wrT, wlT, b):
  BLK = 2000

  def body(x_ref, p0_ref, p1_ref, c0_ref, c1_ref, wr_ref, wl_ref, b_ref,
           o_ref):
    msum = p0_ref[...] + p1_ref[...]
    cnt = c0_ref[:, :1] + c1_ref[:, :1]
    agg = msum * (1.0 / jnp.maximum(cnt, 1.0))
    o_ref[...] = (
        jnp.dot(x_ref[...], wr_ref[...], preferred_element_type=jnp.float32)
        + jnp.dot(agg, wl_ref[...], preferred_element_type=jnp.float32)
        + b_ref[...])

  return pl.pallas_call(
      body,
      grid=(pl.cdiv(N, BLK),),
      in_specs=[
          pl.BlockSpec((BLK, D), lambda i: (i, 0)),
          pl.BlockSpec((BLK, D), lambda i: (i, 0)),
          pl.BlockSpec((BLK, D), lambda i: (i, 0)),
          pl.BlockSpec((BLK, 16), lambda i: (i, 0)),
          pl.BlockSpec((BLK, 16), lambda i: (i, 0)),
          pl.BlockSpec((D, D), lambda i: (0, 0)),
          pl.BlockSpec((D, D), lambda i: (0, 0)),
          pl.BlockSpec((1, D), lambda i: (0, 0)),
      ],
      out_specs=pl.BlockSpec((BLK, D), lambda i: (i, 0)),
      out_shape=jax.ShapeDtypeStruct((N, D), jnp.float32),
  )(x, p0, p1, c0, c1, wrT, wlT, b)


def kernel(x, edge_index, W_rel, W_root, b_root):
  zeros = jnp.zeros((NP, D), jnp.float32)
  zeros_c = jnp.zeros((NP, 16), jnp.float32)
  p0, p1, c0, c1 = _sc_aggregate(x, edge_index, zeros, zeros_c)
  return _tc_combine(x, p0, p1, c0, c1, W_root.T, W_rel.T,
                     b_root.reshape(1, D))

# --- scband reference (transcript-rebuilt; emitter-appended) ---
"""Pipeline reference for scband-rgcnconv-17978733101512 (READ-ONLY COPY).

The authoritative reference and input builder live on the scoring server;
editing this copy changes nothing except your own understanding.
"""

import jax, jax.numpy as jnp
import numpy as np

N = 10000
E = 320000
D_IN = 128
D_OUT = 128


def setup_inputs(seed: int = 0) -> dict:
    key = jax.random.key(seed)
    k1, k2, k3, k4, k5 = jax.random.split(key, 5)
    x = jax.random.normal(k1, (N, D_IN), dtype=jnp.float32)
    edge_index = jax.random.randint(k2, (2, E), 0, N, dtype=jnp.int32)
    scale = 1.0 / np.sqrt(D_IN)
    # torch.nn.Linear params: weight [out, in], bias [out]
    W_rel = jax.random.uniform(k3, (D_OUT, D_IN), minval=-scale, maxval=scale, dtype=jnp.float32)
    W_root = jax.random.uniform(k4, (D_OUT, D_IN), minval=-scale, maxval=scale, dtype=jnp.float32)
    b_root = jax.random.uniform(k5, (D_OUT,), minval=-scale, maxval=scale, dtype=jnp.float32)
    return {"x": x, "edge_index": edge_index, "W_rel": W_rel, "W_root": W_root, "b_root": b_root}


def reference(x, edge_index, W_rel, W_root, b_root):
    # Single node type 'node' and single edge type ('node','to','node').
    # out['node'] = root_lin(x)
    out = x @ W_root.T + b_root
    # adj_t.matmul(x, reduce='mean'): mean of source features over incoming edges per dst node
    src = edge_index[0]
    dst = edge_index[1]
    msg = jnp.take(x, src, axis=0)               # gather (SparseCore-friendly)
    msg_sum = jax.ops.segment_sum(msg, dst, num_segments=N)
    cnt = jax.ops.segment_sum(jnp.ones((E,), dtype=jnp.float32), dst, num_segments=N)
    agg = msg_sum / jnp.maximum(cnt, 1.0)[:, None]
    # out['node'] += rel_lin(agg)  (in-place add_ in torch)
    out = out + agg @ W_rel.T
    return out

if __name__ == "__main__":
    import jax
    _d = setup_inputs()
    print(jax.jit(kernel)(*tuple(_d.values())))

</pallas_src>

<mosaic_0001>
#map = affine_map<(d0, d1) -> (0, 0)>
module attributes {stable_mosaic.version = 14 : i64} {
  func.func @rgcn_sc_aggregate(%arg0: i32, %arg1: i32, %arg2: memref<10000x128xf32, #tpu.memory_space<hbm>>, %arg3: memref<2x320000xi32, #tpu.memory_space<hbm>>, %arg4: memref<10240x128xf32, #tpu.memory_space<hbm>>, %arg5: memref<10240x16xf32, #tpu.memory_space<hbm>>, %arg6: memref<10240x128xf32, #tpu.memory_space<hbm>>, %arg7: memref<10240x128xf32, #tpu.memory_space<hbm>>, %arg8: memref<10240x16xf32, #tpu.memory_space<hbm>>, %arg9: memref<10240x16xf32, #tpu.memory_space<hbm>>, %arg10: memref<80xi32, #tpu.memory_space<vmem>>, %arg11: memref<80xi32, #tpu.memory_space<vmem>>, %arg12: memref<80xi32, #tpu.memory_space<vmem>>, %arg13: memref<80xi32, #tpu.memory_space<vmem>>, %arg14: memref<80xi32, #tpu.memory_space<vmem>>, %arg15: memref<80xi32, #tpu.memory_space<vmem>>, %arg16: memref<80x128xf32, #tpu.memory_space<vmem>>, %arg17: memref<80x128xf32, #tpu.memory_space<vmem>>, %arg18: memref<80x128xf32, #tpu.memory_space<vmem>>, %arg19: memref<80x16xf32, #tpu.memory_space<vmem>>, %arg20: memref<10240x128xf32, #tpu.memory_space<vmem_shared>>, %arg21: memref<10240x16xf32, #tpu.memory_space<vmem_shared>>, %arg22: memref<!tpu.dma_semaphore, #tpu.memory_space<semaphore_mem>>, %arg23: memref<!tpu.dma_semaphore, #tpu.memory_space<semaphore_mem>>, %arg24: memref<!tpu.dma_semaphore, #tpu.memory_space<semaphore_mem>>, %arg25: memref<!tpu.dma_semaphore, #tpu.memory_space<semaphore_mem>>, %arg26: memref<!tpu.dma_semaphore, #tpu.memory_space<semaphore_mem>>, %arg27: memref<!tpu.dma_semaphore, #tpu.memory_space<semaphore_mem>>, %arg28: memref<!tpu.dma_semaphore, #tpu.memory_space<semaphore_mem>>, %arg29: memref<!tpu.dma_semaphore, #tpu.memory_space<semaphore_mem>>, %arg30: memref<!tpu.dma_semaphore, #tpu.memory_space<semaphore_mem>>, %arg31: memref<!tpu.dma_semaphore, #tpu.memory_space<semaphore_mem>>, %arg32: memref<!tpu.dma_semaphore, #tpu.memory_space<semaphore_mem>>) attributes {dimension_semantics = [#tpu.dimension_semantics<core_parallel>, #tpu.dimension_semantics<subcore_parallel>], iteration_bounds = array<i64: 2, 16>, scalar_prefetch = 0 : i64, scratch_operands = 23 : i64, tpu.core_type = #tpu.core_type<sc_vector_subcore>, window_params = [{transform_indices = #map}, {transform_indices = #map}, {transform_indices = #map}, {transform_indices = #map}, {transform_indices = #map}, {transform_indices = #map}, {transform_indices = #map}, {transform_indices = #map}]} {
    %mul3A = arith.constant 16 : i32
    %mul3A_0 = arith.muli %arg0, %mul3A : i32
    %add3A = arith.addi %mul3A_0, %arg1 : i32
    %mul3A_1 = arith.constant 640 : i32
    %mul3A_2 = arith.muli %arg1, %mul3A_1 : i32
    %mul3A_3 = arith.constant 10000 : i32
    %mul3A_4 = arith.muli %add3A, %mul3A_3 : i32
    %add3A_5 = arith.constant 0 : i32
    %add3A_6 = arith.addi %mul3A_4, %add3A_5 : i32
    %dma_start3A = arith.constant 0 : i32
    %dma_start3A_7 = tpu.memref_slice %arg3[%dma_start3A, %add3A_6] : memref<2x320000xi32, #tpu.memory_space<hbm>> -> memref<1x80xi32, #tpu.memory_space<hbm>>
    %dma_start3A_8 = tpu.memref_squeeze %dma_start3A_7 : memref<1x80xi32, #tpu.memory_space<hbm>> -> memref<80xi32, #tpu.memory_space<hbm>>
    %dma_start3A_9 = tpu.memref_slice %arg3[%dma_start3A, %add3A_6] : memref<2x320000xi32, #tpu.memory_space<hbm>> -> memref<1x80xi32, #tpu.memory_space<hbm>>
    %dma_start3A_10 = tpu.memref_squeeze %dma_start3A_9 : memref<1x80xi32, #tpu.memory_space<hbm>> -> memref<80xi32, #tpu.memory_space<hbm>>
    tpu.enqueue_dma source(%dma_start3A_10 : memref<80xi32, #tpu.memory_space<hbm>>) target(%arg10 : memref<80xi32, #tpu.memory_space<vmem>>) target_semaphore(%arg25 : memref<!tpu.dma_semaphore, #tpu.memory_space<semaphore_mem>>)
    %add3A_11 = arith.constant 0 : i32
    %add3A_12 = arith.addi %mul3A_4, %add3A_11 : i32
    %dma_start3A_13 = arith.constant 1 : i32
    %dma_start3A_14 = tpu.memref_slice %arg3[%dma_start3A_13, %add3A_12] : memref<2x320000xi32, #tpu.memory_space<hbm>> -> memref<1x80xi32, #tpu.memory_space<hbm>>
    %dma_start3A_15 = tpu.memref_squeeze %dma_start3A_14 : memref<1x80xi32, #tpu.memory_space<hbm>> -> memref<80xi32, #tpu.memory_space<hbm>>
    %dma_start3A_16 = tpu.memref_slice %arg3[%dma_start3A_13, %add3A_12] : memref<2x320000xi32, #tpu.memory_space<hbm>> -> memref<1x80xi32, #tpu.memory_space<hbm>>
    %dma_start3A_17 = tpu.memref_squeeze %dma_start3A_16 : memref<1x80xi32, #tpu.memory_space<hbm>> -> memref<80xi32, #tpu.memory_space<hbm>>
    tpu.enqueue_dma source(%dma_start3A_17 : memref<80xi32, #tpu.memory_space<hbm>>) target(%arg13 : memref<80xi32, #tpu.memory_space<vmem>>) target_semaphore(%arg28 : memref<!tpu.dma_semaphore, #tpu.memory_space<semaphore_mem>>)
    %add3A_18 = arith.constant 80 : i32
    %add3A_19 = arith.addi %mul3A_4, %add3A_18 : i32
    %dma_start3A_20 = arith.constant 0 : i32
    %dma_start3A_21 = tpu.memref_slice %arg3[%dma_start3A_20, %add3A_19] : memref<2x320000xi32, #tpu.memory_space<hbm>> -> memref<1x80xi32, #tpu.memory_space<hbm>>
    %dma_start3A_22 = tpu.memref_squeeze %dma_start3A_21 : memref<1x80xi32, #tpu.memory_space<hbm>> -> memref<80xi32, #tpu.memory_space<hbm>>
    %dma_start3A_23 = tpu.memref_slice %arg3[%dma_start3A_20, %add3A_19] : memref<2x320000xi32, #tpu.memory_space<hbm>> -> memref<1x80xi32, #tpu.memory_space<hbm>>
    %dma_start3A_24 = tpu.memref_squeeze %dma_start3A_23 : memref<1x80xi32, #tpu.memory_space<hbm>> -> memref<80xi32, #tpu.memory_space<hbm>>
    tpu.enqueue_dma source(%dma_start3A_24 : memref<80xi32, #tpu.memory_space<hbm>>) target(%arg11 : memref<80xi32, #tpu.memory_space<vmem>>) target_semaphore(%arg26 : memref<!tpu.dma_semaphore, #tpu.memory_space<semaphore_mem>>)
    %add3A_25 = arith.constant 80 : i32
    %add3A_26 = arith.addi %mul3A_4, %add3A_25 : i32
    %dma_start3A_27 = arith.constant 1 : i32
    %dma_start3A_28 = tpu.memref_slice %arg3[%dma_start3A_27, %add3A_26] : memref<2x320000xi32, #tpu.memory_space<hbm>> -> memref<1x80xi32, #tpu.memory_space<hbm>>
    %dma_start3A_29 = tpu.memref_squeeze %dma_start3A_28 : memref<1x80xi32, #tpu.memory_space<hbm>> -> memref<80xi32, #tpu.memory_space<hbm>>
    %dma_start3A_30 = tpu.memref_slice %arg3[%dma_start3A_27, %add3A_26] : memref<2x320000xi32, #tpu.memory_space<hbm>> -> memref<1x80xi32, #tpu.memory_space<hbm>>
    %dma_start3A_31 = tpu.memref_squeeze %dma_start3A_30 : memref<1x80xi32, #tpu.memory_space<hbm>> -> memref<80xi32, #tpu.memory_space<hbm>>
    tpu.enqueue_dma source(%dma_start3A_31 : memref<80xi32, #tpu.memory_space<hbm>>) target(%arg14 : memref<80xi32, #tpu.memory_space<vmem>>) target_semaphore(%arg29 : memref<!tpu.dma_semaphore, #tpu.memory_space<semaphore_mem>>)
    %add3A_32 = arith.constant 160 : i32
    %add3A_33 = arith.addi %mul3A_4, %add3A_32 : i32
    %dma_start3A_34 = arith.constant 0 : i32
    %dma_start3A_35 = tpu.memref_slice %arg3[%dma_start3A_34, %add3A_33] : memref<2x320000xi32, #tpu.memory_space<hbm>> -> memref<1x80xi32, #tpu.memory_space<hbm>>
    %dma_start3A_36 = tpu.memref_squeeze %dma_start3A_35 : memref<1x80xi32, #tpu.memory_space<hbm>> -> memref<80xi32, #tpu.memory_space<hbm>>
    %dma_start3A_37 = tpu.memref_slice %arg3[%dma_start3A_34, %add3A_33] : memref<2x320000xi32, #tpu.memory_space<hbm>> -> memref<1x80xi32, #tpu.memory_space<hbm>>
    %dma_start3A_38 = tpu.memref_squeeze %dma_start3A_37 : memref<1x80xi32, #tpu.memory_space<hbm>> -> memref<80xi32, #tpu.memory_space<hbm>>
    tpu.enqueue_dma source(%dma_start3A_38 : memref<80xi32, #tpu.memory_space<hbm>>) target(%arg12 : memref<80xi32, #tpu.memory_space<vmem>>) target_semaphore(%arg27 : memref<!tpu.dma_semaphore, #tpu.memory_space<semaphore_mem>>)
    %add3A_39 = arith.constant 160 : i32
    %add3A_40 = arith.addi %mul3A_4, %add3A_39 : i32
    %dma_start3A_41 = arith.constant 1 : i32
    %dma_start3A_42 = tpu.memref_slice %arg3[%dma_start3A_41, %add3A_40] : memref<2x320000xi32, #tpu.memory_space<hbm>> -> memref<1x80xi32, #tpu.memory_space<hbm>>
    %dma_start3A_43 = tpu.memref_squeeze %dma_start3A_42 : memref<1x80xi32, #tpu.memory_space<hbm>> -> memref<80xi32, #tpu.memory_space<hbm>>
    %dma_start3A_44 = tpu.memref_slice %arg3[%dma_start3A_41, %add3A_40] : memref<2x320000xi32, #tpu.memory_space<hbm>> -> memref<1x80xi32, #tpu.memory_space<hbm>>
    %dma_start3A_45 = tpu.memref_squeeze %dma_start3A_44 : memref<1x80xi32, #tpu.memory_space<hbm>> -> memref<80xi32, #tpu.memory_space<hbm>>
    tpu.enqueue_dma source(%dma_start3A_45 : memref<80xi32, #tpu.memory_space<hbm>>) target(%arg15 : memref<80xi32, #tpu.memory_space<vmem>>) target_semaphore(%arg30 : memref<!tpu.dma_semaphore, #tpu.memory_space<semaphore_mem>>)
    %dma_wait3A = arith.constant 0 : i32
    %dma_wait3A_46 = arith.constant 0 : i32
    %dma_wait3A_47 = tpu.memref_slice %arg3[%dma_wait3A, %dma_wait3A_46] : memref<2x320000xi32, #tpu.memory_space<hbm>> -> memref<1x80xi32, #tpu.memory_space<hbm>>
    %dma_wait3A_48 = tpu.memref_squeeze %dma_wait3A_47 : memref<1x80xi32, #tpu.memory_space<hbm>> -> memref<80xi32, #tpu.memory_space<hbm>>
    %dma_wait3A_49 = arith.constant 0 : i32
    %dma_wait3A_50 = tpu.memref_slice %arg3[%dma_wait3A, %dma_wait3A_49] : memref<2x320000xi32, #tpu.memory_space<hbm>> -> memref<1x80xi32, #tpu.memory_space<hbm>>
    %dma_wait3A_51 = tpu.memref_squeeze %dma_wait3A_50 : memref<1x80xi32, #tpu.memory_space<hbm>> -> memref<80xi32, #tpu.memory_space<hbm>>
    tpu.wait_dma2 semaphore(%arg25 : memref<!tpu.dma_semaphore, #tpu.memory_space<semaphore_mem>>) src(%dma_wait3A_51 : memref<80xi32, #tpu.memory_space<hbm>>) dst(%arg10 : memref<80xi32, #tpu.memory_space<vmem>>)
    %dma_start3A_52 = arith.constant 0 : i32
    %dma_start3A_53 = arith.constant 0 : i32
    %dma_start3A_54 = tpu.memref_slice %arg2[%dma_start3A_52, %dma_start3A_53] : memref<10000x128xf32, #tpu.memory_space<hbm>> -> memref<10000x128xf32, #tpu.memory_space<hbm>>
    tpu.enqueue_indirect_dma source(%dma_start3A_54 : memref<10000x128xf32, #tpu.memory_space<hbm>>) target(%arg16 : memref<80x128xf32, #tpu.memory_space<vmem>>) offsets(%arg10 : memref<80xi32, #tpu.memory_space<vmem>>) semaphore(%arg22 : memref<!tpu.dma_semaphore, #tpu.memory_space<semaphore_mem>>)
    %dma_wait3A_55 = arith.constant 0 : i32
    %dma_wait3A_56 = arith.constant 0 : i32
    %dma_wait3A_57 = tpu.memref_slice %arg3[%dma_wait3A_55, %dma_wait3A_56] : memref<2x320000xi32, #tpu.memory_space<hbm>> -> memref<1x80xi32, #tpu.memory_space<hbm>>
    %dma_wait3A_58 = tpu.memref_squeeze %dma_wait3A_57 : memref<1x80xi32, #tpu.memory_space<hbm>> -> memref<80xi32, #tpu.memory_space<hbm>>
    %dma_wait3A_59 = arith.constant 0 : i32
    %dma_wait3A_60 = tpu.memref_slice %arg3[%dma_wait3A_55, %dma_wait3A_59] : memref<2x320000xi32, #tpu.memory_space<hbm>> -> memref<1x80xi32, #tpu.memory_space<hbm>>
    %dma_wait3A_61 = tpu.memref_squeeze %dma_wait3A_60 : memref<1x80xi32, #tpu.memory_space<hbm>> -> memref<80xi32, #tpu.memory_space<hbm>>
    tpu.wait_dma2 semaphore(%arg26 : memref<!tpu.dma_semaphore, #tpu.memory_space<semaphore_mem>>) src(%dma_wait3A_61 : memref<80xi32, #tpu.memory_space<hbm>>) dst(%arg11 : memref<80xi32, #tpu.memory_space<vmem>>)
    %dma_start3A_62 = arith.constant 0 : i32
    %dma_start3A_63 = arith.constant 0 : i32
    %dma_start3A_64 = tpu.memref_slice %arg2[%dma_start3A_62, %dma_start3A_63] : memref<10000x128xf32, #tpu.memory_space<hbm>> -> memref<10000x128xf32, #tpu.memory_space<hbm>>
    tpu.enqueue_indirect_dma source(%dma_start3A_64 : memref<10000x128xf32, #tpu.memory_space<hbm>>) target(%arg17 : memref<80x128xf32, #tpu.memory_space<vmem>>) offsets(%arg11 : memref<80xi32, #tpu.memory_space<vmem>>) semaphore(%arg23 : memref<!tpu.dma_semaphore, #tpu.memory_space<semaphore_mem>>)
    %dma_wait3A_65 = arith.constant 0 : i32
    %dma_wait3A_66 = arith.constant 0 : i32
    %dma_wait3A_67 = tpu.memref_slice %arg3[%dma_wait3A_65, %dma_wait3A_66] : memref<2x320000xi32, #tpu.memory_space<hbm>> -> memref<1x80xi32, #tpu.memory_space<hbm>>
    %dma_wait3A_68 = tpu.memref_squeeze %dma_wait3A_67 : memref<1x80xi32, #tpu.memory_space<hbm>> -> memref<80xi32, #tpu.memory_space<hbm>>
    %dma_wait3A_69 = arith.constant 0 : i32
    %dma_wait3A_70 = tpu.memref_slice %arg3[%dma_wait3A_65, %dma_wait3A_69] : memref<2x320000xi32, #tpu.memory_space<hbm>> -> memref<1x80xi32, #tpu.memory_space<hbm>>
    %dma_wait3A_71 = tpu.memref_squeeze %dma_wait3A_70 : memref<1x80xi32, #tpu.memory_space<hbm>> -> memref<80xi32, #tpu.memory_space<hbm>>
    tpu.wait_dma2 semaphore(%arg27 : memref<!tpu.dma_semaphore, #tpu.memory_space<semaphore_mem>>) src(%dma_wait3A_71 : memref<80xi32, #tpu.memory_space<hbm>>) dst(%arg12 : memref<80xi32, #tpu.memory_space<vmem>>)
    %dma_start3A_72 = arith.constant 0 : i32
    %dma_start3A_73 = arith.constant 0 : i32
    %dma_start3A_74 = tpu.memref_slice %arg2[%dma_start3A_72, %dma_start3A_73] : memref<10000x128xf32, #tpu.memory_space<hbm>> -> memref<10000x128xf32, #tpu.memory_space<hbm>>
    tpu.enqueue_indirect_dma source(%dma_start3A_74 : memref<10000x128xf32, #tpu.memory_space<hbm>>) target(%arg18 : memref<80x128xf32, #tpu.memory_space<vmem>>) offsets(%arg12 : memref<80xi32, #tpu.memory_space<vmem>>) semaphore(%arg24 : memref<!tpu.dma_semaphore, #tpu.memory_space<semaphore_mem>>)
    "tpu.region"() ({
      %run_scoped3A = tpu.sem_alloc : memref<!tpu.dma_semaphore, #tpu.memory_space<semaphore_mem>>
      %dma_start3A_267 = arith.constant 0 : i32
      %dma_start3A_268 = tpu.memref_slice %arg20[%mul3A_2, %dma_start3A_267] : memref<10240x128xf32, #tpu.memory_space<vmem_shared>> -> memref<640x128xf32, #tpu.memory_space<vmem_shared>>
      %dma_start3A_269 = arith.constant 0 : i32
      %dma_start3A_270 = tpu.memref_slice %arg4[%mul3A_2, %dma_start3A_269] : memref<10240x128xf32, #tpu.memory_space<hbm>> -> memref<640x128xf32, #tpu.memory_space<hbm>>
      tpu.enqueue_dma source(%dma_start3A_270 : memref<640x128xf32, #tpu.memory_space<hbm>>) target(%dma_start3A_268 : memref<640x128xf32, #tpu.memory_space<vmem_shared>>) target_semaphore(%run_scoped3A : memref<!tpu.dma_semaphore, #tpu.memory_space<semaphore_mem>>)
      %dma_wait3A_271 = arith.constant 0 : i32
      %dma_wait3A_272 = tpu.memref_slice %arg20[%mul3A_2, %dma_wait3A_271] : memref<10240x128xf32, #tpu.memory_space<vmem_shared>> -> memref<640x128xf32, #tpu.memory_space<vmem_shared>>
      %dma_wait3A_273 = arith.constant 0 : i32
      %dma_wait3A_274 = tpu.memref_slice %arg4[%mul3A_2, %dma_wait3A_273] : memref<10240x128xf32, #tpu.memory_space<hbm>> -> memref<640x128xf32, #tpu.memory_space<hbm>>
      tpu.wait_dma2 semaphore(%run_scoped3A : memref<!tpu.dma_semaphore, #tpu.memory_space<semaphore_mem>>) src(%dma_wait3A_274 : memref<640x128xf32, #tpu.memory_space<hbm>>) dst(%dma_wait3A_272 : memref<640x128xf32, #tpu.memory_space<vmem_shared>>)
      tpu.yield
    }) : () -> ()
    "tpu.region"() ({
      %run_scoped3A = tpu.sem_alloc : memref<!tpu.dma_semaphore, #tpu.memory_space<semaphore_mem>>
      %dma_start3A_267 = arith.constant 0 : i32
      %dma_start3A_268 = tpu.memref_slice %arg21[%mul3A_2, %dma_start3A_267] : memref<10240x16xf32, #tpu.memory_space<vmem_shared>> -> memref<640x16xf32, #tpu.memory_space<vmem_shared>>
      %dma_start3A_269 = arith.constant 0 : i32
      %dma_start3A_270 = tpu.memref_slice %arg5[%mul3A_2, %dma_start3A_269] : memref<10240x16xf32, #tpu.memory_space<hbm>> -> memref<640x16xf32, #tpu.memory_space<hbm>>
      tpu.enqueue_dma source(%dma_start3A_270 : memref<640x16xf32, #tpu.memory_space<hbm>>) target(%dma_start3A_268 : memref<640x16xf32, #tpu.memory_space<vmem_shared>>) target_semaphore(%run_scoped3A : memref<!tpu.dma_semaphore, #tpu.memory_space<semaphore_mem>>)
      %dma_wait3A_271 = arith.constant 0 : i32
      %dma_wait3A_272 = tpu.memref_slice %arg21[%mul3A_2, %dma_wait3A_271] : memref<10240x16xf32, #tpu.memory_space<vmem_shared>> -> memref<640x16xf32, #tpu.memory_space<vmem_shared>>
      %dma_wait3A_273 = arith.constant 0 : i32
      %dma_wait3A_274 = tpu.memref_slice %arg5[%mul3A_2, %dma_wait3A_273] : memref<10240x16xf32, #tpu.memory_space<hbm>> -> memref<640x16xf32, #tpu.memory_space<hbm>>
      tpu.wait_dma2 semaphore(%run_scoped3A : memref<!tpu.dma_semaphore, #tpu.memory_space<semaphore_mem>>) src(%dma_wait3A_274 : memref<640x16xf32, #tpu.memory_space<hbm>>) dst(%dma_wait3A_272 : memref<640x16xf32, #tpu.memory_space<vmem_shared>>)
      tpu.yield
    }) : () -> ()
    %scan3A = arith.constant 0 : i32
    %scan3A_75 = arith.constant 0 : i32
    %scan3A_76 = arith.constant 80 : i32
    %scan3A_77 = arith.addi %scan3A_75, %scan3A_76 : i32
    %scan3A_78 = arith.constant 1 : i32
    scf.for %scan3A_267 = %scan3A_75 to %scan3A_77 step %scan3A_78  : i32 {
      %broadcast_in_dim3A = arith.constant 1.000000e+00 : f32
      %broadcast_in_dim3A_268 = vector.broadcast %broadcast_in_dim3A : f32 to vector<16xf32>
      %swap3A = arith.index_cast %scan3A_267 : i32 to index
      %swap3A_269 = arith.constant 0 : index
      %swap3A_270 = tpu.vector_load %arg19[%swap3A, %swap3A_269] {strides = array<i32>} : memref<80x16xf32, #tpu.memory_space<vmem>>, vector<1x16xf32>,
      %swap3A_271 = vector.shape_cast %swap3A_270 : vector<1x16xf32> to vector<16xf32>
      %swap3A_272 = vector.shape_cast %broadcast_in_dim3A_268 : vector<16xf32> to vector<1x16xf32>
      tpu.vector_store %arg19[%swap3A, %swap3A_269], %swap3A_272 {strides = array<i32>} : memref<80x16xf32, #tpu.memory_space<vmem>>, vector<1x16xf32>,
    }
    %scan3A_79 = arith.constant 80 : i32
    %barrier3A = arith.constant 0 : index
    tpu.barrier barrier_id(%barrier3A)
    %scan3A_80 = arith.constant 0 : i32
    %scan3A_81 = arith.constant 0 : i32
    %scan3A_82 = arith.constant 40 : i32
    %scan3A_83 = arith.addi %scan3A_81, %scan3A_82 : i32
    %scan3A_84 = arith.constant 1 : i32
    scf.for %scan3A_267 = %scan3A_81 to %scan3A_83 step %scan3A_84  : i32 {
      %mul3A_268 = arith.constant 3 : i32
      %mul3A_269 = arith.muli %mul3A_268, %scan3A_267 : i32
      %add3A_270 = arith.constant 0 : i32
      %add3A_271 = arith.addi %mul3A_269, %add3A_270 : i32
      %dma_wait3A_272 = arith.constant 0 : i32
      %dma_wait3A_273 = arith.constant 0 : i32
      %dma_wait3A_274 = tpu.memref_slice %arg4[%dma_wait3A_272, %dma_wait3A_273] : memref<10240x128xf32, #tpu.memory_space<hbm>> -> memref<80x128xf32, #tpu.memory_space<hbm>>
      %dma_wait3A_275 = arith.constant 0 : i32
      %dma_wait3A_276 = arith.constant 0 : i32
      %dma_wait3A_277 = tpu.memref_slice %arg4[%dma_wait3A_275, %dma_wait3A_276] : memref<10240x128xf32, #tpu.memory_space<hbm>> -> memref<80x128xf32, #tpu.memory_space<hbm>>
      tpu.wait_dma2 semaphore(%arg22 : memref<!tpu.dma_semaphore, #tpu.memory_space<semaphore_mem>>) src(%dma_wait3A_277 : memref<80x128xf32, #tpu.memory_space<hbm>>) dst(%arg16 : memref<80x128xf32, #tpu.memory_space<vmem>>)
      %add3A_278 = arith.constant 3 : i32
      %add3A_279 = arith.addi %add3A_271, %add3A_278 : i32
      %mul3A_280 = arith.constant 80 : i32
      %mul3A_281 = arith.muli %add3A_279, %mul3A_280 : i32
      %add3A_282 = arith.addi %mul3A_4, %mul3A_281 : i32
      %dma_start3A_283 = arith.constant 0 : i32
      %dma_start3A_284 = tpu.memref_slice %arg3[%dma_start3A_283, %add3A_282] : memref<2x320000xi32, #tpu.memory_space<hbm>> -> memref<1x80xi32, #tpu.memory_space<hbm>>
      %dma_start3A_285 = tpu.memref_squeeze %dma_start3A_284 : memref<1x80xi32, #tpu.memory_space<hbm>> -> memref<80xi32, #tpu.memory_space<hbm>>
      %dma_start3A_286 = tpu.memref_slice %arg3[%dma_start3A_283, %add3A_282] : memref<2x320000xi32, #tpu.memory_space<hbm>> -> memref<1x80xi32, #tpu.memory_space<hbm>>
      %dma_start3A_287 = tpu.memref_squeeze %dma_start3A_286 : memref<1x80xi32, #tpu.memory_space<hbm>> -> memref<80xi32, #tpu.memory_space<hbm>>
      tpu.enqueue_dma source(%dma_start3A_287 : memref<80xi32, #tpu.memory_space<hbm>>) target(%arg10 : memref<80xi32, #tpu.memory_space<vmem>>) target_semaphore(%arg25 : memref<!tpu.dma_semaphore, #tpu.memory_space<semaphore_mem>>)
      %dma_wait3A_288 = arith.constant 0 : i32
      %dma_wait3A_289 = arith.constant 0 : i32
      %dma_wait3A_290 = tpu.memref_slice %arg3[%dma_wait3A_288, %dma_wait3A_289] : memref<2x320000xi32, #tpu.memory_space<hbm>> -> memref<1x80xi32, #tpu.memory_space<hbm>>
      %dma_wait3A_291 = tpu.memref_squeeze %dma_wait3A_290 : memref<1x80xi32, #tpu.memory_space<hbm>> -> memref<80xi32, #tpu.memory_space<hbm>>
      %dma_wait3A_292 = arith.constant 0 : i32
      %dma_wait3A_293 = tpu.memref_slice %arg3[%dma_wait3A_288, %dma_wait3A_292] : memref<2x320000xi32, #tpu.memory_space<hbm>> -> memref<1x80xi32, #tpu.memory_space<hbm>>
      %dma_wait3A_294 = tpu.memref_squeeze %dma_wait3A_293 : memref<1x80xi32, #tpu.memory_space<hbm>> -> memref<80xi32, #tpu.memory_space<hbm>>
      tpu.wait_dma2 semaphore(%arg28 : memref<!tpu.dma_semaphore, #tpu.memory_space<semaphore_mem>>) src(%dma_wait3A_294 : memref<80xi32, #tpu.memory_space<hbm>>) dst(%arg13 : memref<80xi32, #tpu.memory_space<vmem>>)
      %dma_start3A_295 = arith.constant 0 : i32
      %dma_start3A_296 = arith.constant 0 : i32
      %dma_start3A_297 = tpu.memref_slice %arg20[%dma_start3A_295, %dma_start3A_296] : memref<10240x128xf32, #tpu.memory_space<vmem_shared>> -> memref<10240x128xf32, #tpu.memory_space<vmem_shared>>
      tpu.enqueue_indirect_dma source(%arg16 : memref<80x128xf32, #tpu.memory_space<vmem>>) target(%dma_start3A_297 : memref<10240x128xf32, #tpu.memory_space<vmem_shared>>) offsets(%arg13 : memref<80xi32, #tpu.memory_space<vmem>>) semaphore(%arg31 : memref<!tpu.dma_semaphore, #tpu.memory_space<semaphore_mem>>) {add = true}
      %dma_start3A_298 = arith.constant 0 : i32
      %dma_start3A_299 = arith.constant 0 : i32
      %dma_start3A_300 = tpu.memref_slice %arg21[%dma_start3A_298, %dma_start3A_299] : memref<10240x16xf32, #tpu.memory_space<vmem_shared>> -> memref<10240x16xf32, #tpu.memory_space<vmem_shared>>
      tpu.enqueue_indirect_dma source(%arg19 : memref<80x16xf32, #tpu.memory_space<vmem>>) target(%dma_start3A_300 : memref<10240x16xf32, #tpu.memory_space<vmem_shared>>) offsets(%arg13 : memref<80xi32, #tpu.memory_space<vmem>>) semaphore(%arg32 : memref<!tpu.dma_semaphore, #tpu.memory_space<semaphore_mem>>) {add = true}
      %dma_wait3A_301 = arith.constant 0 : i32
      %dma_wait3A_302 = arith.constant 0 : i32
      %dma_wait3A_303 = tpu.memref_slice %arg20[%dma_wait3A_301, %dma_wait3A_302] : memref<10240x128xf32, #tpu.memory_space<vmem_shared>> -> memref<10240x128xf32, #tpu.memory_space<vmem_shared>>
      tpu.wait_indirect_dma semaphore(%arg31 : memref<!tpu.dma_semaphore, #tpu.memory_space<semaphore_mem>>) src(%arg16 : memref<80x128xf32, #tpu.memory_space<vmem>>) dst(%dma_wait3A_303 : memref<10240x128xf32, #tpu.memory_space<vmem_shared>>)
      %dma_wait3A_304 = arith.constant 0 : i32
      %dma_wait3A_305 = arith.constant 0 : i32
      %dma_wait3A_306 = tpu.memref_slice %arg3[%dma_wait3A_304, %dma_wait3A_305] : memref<2x320000xi32, #tpu.memory_space<hbm>> -> memref<1x80xi32, #tpu.memory_space<hbm>>
      %dma_wait3A_307 = tpu.memref_squeeze %dma_wait3A_306 : memref<1x80xi32, #tpu.memory_space<hbm>> -> memref<80xi32, #tpu.memory_space<hbm>>
      %dma_wait3A_308 = arith.constant 0 : i32
      %dma_wait3A_309 = tpu.memref_slice %arg3[%dma_wait3A_304, %dma_wait3A_308] : memref<2x320000xi32, #tpu.memory_space<hbm>> -> memref<1x80xi32, #tpu.memory_space<hbm>>
      %dma_wait3A_310 = tpu.memref_squeeze %dma_wait3A_309 : memref<1x80xi32, #tpu.memory_space<hbm>> -> memref<80xi32, #tpu.memory_space<hbm>>
      tpu.wait_dma2 semaphore(%arg25 : memref<!tpu.dma_semaphore, #tpu.memory_space<semaphore_mem>>) src(%dma_wait3A_310 : memref<80xi32, #tpu.memory_space<hbm>>) dst(%arg10 : memref<80xi32, #tpu.memory_space<vmem>>)
      %dma_start3A_311 = arith.constant 0 : i32
      %dma_start3A_312 = arith.constant 0 : i32
      %dma_start3A_313 = tpu.memref_slice %arg2[%dma_start3A_311, %dma_start3A_312] : memref<10000x128xf32, #tpu.memory_space<hbm>> -> memref<10000x128xf32, #tpu.memory_space<hbm>>
      tpu.enqueue_indirect_dma source(%dma_start3A_313 : memref<10000x128xf32, #tpu.memory_space<hbm>>) target(%arg16 : memref<80x128xf32, #tpu.memory_space<vmem>>) offsets(%arg10 : memref<80xi32, #tpu.memory_space<vmem>>) semaphore(%arg22 : memref<!tpu.dma_semaphore, #tpu.memory_space<semaphore_mem>>)
      %dma_wait3A_314 = arith.constant 0 : i32
      %dma_wait3A_315 = arith.constant 0 : i32
      %dma_wait3A_316 = tpu.memref_slice %arg21[%dma_wait3A_314, %dma_wait3A_315] : memref<10240x16xf32, #tpu.memory_space<vmem_shared>> -> memref<10240x16xf32, #tpu.memory_space<vmem_shared>>
      tpu.wait_indirect_dma semaphore(%arg32 : memref<!tpu.dma_semaphore, #tpu.memory_space<semaphore_mem>>) src(%arg19 : memref<80x16xf32, #tpu.memory_space<vmem>>) dst(%dma_wait3A_316 : memref<10240x16xf32, #tpu.memory_space<vmem_shared>>)
      %add3A_317 = arith.constant 3 : i32
      %add3A_318 = arith.addi %add3A_271, %add3A_317 : i32
      %mul3A_319 = arith.constant 80 : i32
      %mul3A_320 = arith.muli %add3A_318, %mul3A_319 : i32
      %add3A_321 = arith.addi %mul3A_4, %mul3A_320 : i32
      %dma_start3A_322 = arith.constant 1 : i32
      %dma_start3A_323 = tpu.memref_slice %arg3[%dma_start3A_322, %add3A_321] : memref<2x320000xi32, #tpu.memory_space<hbm>> -> memref<1x80xi32, #tpu.memory_space<hbm>>
      %dma_start3A_324 = tpu.memref_squeeze %dma_start3A_323 : memref<1x80xi32, #tpu.memory_space<hbm>> -> memref<80xi32, #tpu.memory_space<hbm>>
      %dma_start3A_325 = tpu.memref_slice %arg3[%dma_start3A_322, %add3A_321] : memref<2x320000xi32, #tpu.memory_space<hbm>> -> memref<1x80xi32, #tpu.memory_space<hbm>>
      %dma_start3A_326 = tpu.memref_squeeze %dma_start3A_325 : memref<1x80xi32, #tpu.memory_space<hbm>> -> memref<80xi32, #tpu.memory_space<hbm>>
      tpu.enqueue_dma source(%dma_start3A_326 : memref<80xi32, #tpu.memory_space<hbm>>) target(%arg13 : memref<80xi32, #tpu.memory_space<vmem>>) target_semaphore(%arg28 : memref<!tpu.dma_semaphore, #tpu.memory_space<semaphore_mem>>)
      %add3A_327 = arith.constant 1 : i32
      %add3A_328 = arith.addi %mul3A_269, %add3A_327 : i32
      %dma_wait3A_329 = arith.constant 0 : i32
      %dma_wait3A_330 = arith.constant 0 : i32
      %dma_wait3A_331 = tpu.memref_slice %arg4[%dma_wait3A_329, %dma_wait3A_330] : memref<10240x128xf32, #tpu.memory_space<hbm>> -> memref<80x128xf32, #tpu.memory_space<hbm>>
      %dma_wait3A_332 = arith.constant 0 : i32
      %dma_wait3A_333 = arith.constant 0 : i32
      %dma_wait3A_334 = tpu.memref_slice %arg4[%dma_wait3A_332, %dma_wait3A_333] : memref<10240x128xf32, #tpu.memory_space<hbm>> -> memref<80x128xf32, #tpu.memory_space<hbm>>
      tpu.wait_dma2 semaphore(%arg23 : memref<!tpu.dma_semaphore, #tpu.memory_space<semaphore_mem>>) src(%dma_wait3A_334 : memref<80x128xf32, #tpu.memory_space<hbm>>) dst(%arg17 : memref<80x128xf32, #tpu.memory_space<vmem>>)
      %add3A_335 = arith.constant 3 : i32
      %add3A_336 = arith.addi %add3A_328, %add3A_335 : i32
      %mul3A_337 = arith.constant 80 : i32
      %mul3A_338 = arith.muli %add3A_336, %mul3A_337 : i32
      %add3A_339 = arith.addi %mul3A_4, %mul3A_338 : i32
      %dma_start3A_340 = arith.constant 0 : i32
      %dma_start3A_341 = tpu.memref_slice %arg3[%dma_start3A_340, %add3A_339] : memref<2x320000xi32, #tpu.memory_space<hbm>> -> memref<1x80xi32, #tpu.memory_space<hbm>>
      %dma_start3A_342 = tpu.memref_squeeze %dma_start3A_341 : memref<1x80xi32, #tpu.memory_space<hbm>> -> memref<80xi32, #tpu.memory_space<hbm>>
      %dma_start3A_343 = tpu.memref_slice %arg3[%dma_start3A_340, %add3A_339] : memref<2x320000xi32, #tpu.memory_space<hbm>> -> memref<1x80xi32, #tpu.memory_space<hbm>>
      %dma_start3A_344 = tpu.memref_squeeze %dma_start3A_343 : memref<1x80xi32, #tpu.memory_space<hbm>> -> memref<80xi32, #tpu.memory_space<hbm>>
      tpu.enqueue_dma source(%dma_start3A_344 : memref<80xi32, #tpu.memory_space<hbm>>) target(%arg11 : memref<80xi32, #tpu.memory_space<vmem>>) target_semaphore(%arg26 : memref<!tpu.dma_semaphore, #tpu.memory_space<semaphore_mem>>)
      %dma_wait3A_345 = arith.constant 0 : i32
      %dma_wait3A_346 = arith.constant 0 : i32
      %dma_wait3A_347 = tpu.memref_slice %arg3[%dma_wait3A_345, %dma_wait3A_346] : memref<2x320000xi32, #tpu.memory_space<hbm>> -> memref<1x80xi32, #tpu.memory_space<hbm>>
      %dma_wait3A_348 = tpu.memref_squeeze %dma_wait3A_347 : memref<1x80xi32, #tpu.memory_space<hbm>> -> memref<80xi32, #tpu.memory_space<hbm>>
      %dma_wait3A_349 = arith.constant 0 : i32
      %dma_wait3A_350 = tpu.memref_slice %arg3[%dma_wait3A_345, %dma_wait3A_349] : memref<2x320000xi32, #tpu.memory_space<hbm>> -> memref<1x80xi32, #tpu.memory_space<hbm>>
      %dma_wait3A_351 = tpu.memref_squeeze %dma_wait3A_350 : memref<1x80xi32, #tpu.memory_space<hbm>> -> memref<80xi32, #tpu.memory_space<hbm>>
      tpu.wait_dma2 semaphore(%arg29 : memref<!tpu.dma_semaphore, #tpu.memory_space<semaphore_mem>>) src(%dma_wait3A_351 : memref<80xi32, #tpu.memory_space<hbm>>) dst(%arg14 : memref<80xi32, #tpu.memory_space<vmem>>)
      %dma_start3A_352 = arith.constant 0 : i32
      %dma_start3A_353 = arith.constant 0 : i32
      %dma_start3A_354 = tpu.memref_slice %arg20[%dma_start3A_352, %dma_start3A_353] : memref<10240x128xf32, #tpu.memory_space<vmem_shared>> -> memref<10240x128xf32, #tpu.memory_space<vmem_shared>>
      tpu.enqueue_indirect_dma source(%arg17 : memref<80x128xf32, #tpu.memory_space<vmem>>) target(%dma_start3A_354 : memref<10240x128xf32, #tpu.memory_space<vmem_shared>>) offsets(%arg14 : memref<80xi32, #tpu.memory_space<vmem>>) semaphore(%arg31 : memref<!tpu.dma_semaphore, #tpu.memory_space<semaphore_mem>>) {add = true}
      %dma_start3A_355 = arith.constant 0 : i32
      %dma_start3A_356 = arith.constant 0 : i32
      %dma_start3A_357 = tpu.memref_slice %arg21[%dma_start3A_355, %dma_start3A_356] : memref<10240x16xf32, #tpu.memory_space<vmem_shared>> -> memref<10240x16xf32, #tpu.memory_space<vmem_shared>>
      tpu.enqueue_indirect_dma source(%arg19 : memref<80x16xf32, #tpu.memory_space<vmem>>) target(%dma_start3A_357 : memref<10240x16xf32, #tpu.memory_space<vmem_shared>>) offsets(%arg14 : memref<80xi32, #tpu.memory_space<vmem>>) semaphore(%arg32 : memref<!tpu.dma_semaphore, #tpu.memory_space<semaphore_mem>>) {add = true}
      %dma_wait3A_358 = arith.constant 0 : i32
      %dma_wait3A_359 = arith.constant 0 : i32
      %dma_wait3A_360 = tpu.memref_slice %arg20[%dma_wait3A_358, %dma_wait3A_359] : memref<10240x128xf32, #tpu.memory_space<vmem_shared>> -> memref<10240x128xf32, #tpu.memory_space<vmem_shared>>
      tpu.wait_indirect_dma semaphore(%arg31 : memref<!tpu.dma_semaphore, #tpu.memory_space<semaphore_mem>>) src(%arg17 : memref<80x128xf32, #tpu.memory_space<vmem>>) dst(%dma_wait3A_360 : memref<10240x128xf32, #tpu.memory_space<vmem_shared>>)
      %dma_wait3A_361 = arith.constant 0 : i32
      %dma_wait3A_362 = arith.constant 0 : i32
      %dma_wait3A_363 = tpu.memref_slice %arg3[%dma_wait3A_361, %dma_wait3A_362] : memref<2x320000xi32, #tpu.memory_space<hbm>> -> memref<1x80xi32, #tpu.memory_space<hbm>>
      %dma_wait3A_364 = tpu.memref_squeeze %dma_wait3A_363 : memref<1x80xi32, #tpu.memory_space<hbm>> -> memref<80xi32, #tpu.memory_space<hbm>>
      %dma_wait3A_365 = arith.constant 0 : i32
      %dma_wait3A_366 = tpu.memref_slice %arg3[%dma_wait3A_361, %dma_wait3A_365] : memref<2x320000xi32, #tpu.memory_space<hbm>> -> memref<1x80xi32, #tpu.memory_space<hbm>>
      %dma_wait3A_367 = tpu.memref_squeeze %dma_wait3A_366 : memref<1x80xi32, #tpu.memory_space<hbm>> -> memref<80xi32, #tpu.memory_space<hbm>>
      tpu.wait_dma2 semaphore(%arg26 : memref<!tpu.dma_semaphore, #tpu.memory_space<semaphore_mem>>) src(%dma_wait3A_367 : memref<80xi32, #tpu.memory_space<hbm>>) dst(%arg11 : memref<80xi32, #tpu.memory_space<vmem>>)
      %dma_start3A_368 = arith.constant 0 : i32
      %dma_start3A_369 = arith.constant 0 : i32
      %dma_start3A_370 = tpu.memref_slice %arg2[%dma_start3A_368, %dma_start3A_369] : memref<10000x128xf32, #tpu.memory_space<hbm>> -> memref<10000x128xf32, #tpu.memory_space<hbm>>
      tpu.enqueue_indirect_dma source(%dma_start3A_370 : memref<10000x128xf32, #tpu.memory_space<hbm>>) target(%arg17 : memref<80x128xf32, #tpu.memory_space<vmem>>) offsets(%arg11 : memref<80xi32, #tpu.memory_space<vmem>>) semaphore(%arg23 : memref<!tpu.dma_semaphore, #tpu.memory_space<semaphore_mem>>)
      %dma_wait3A_371 = arith.constant 0 : i32
      %dma_wait3A_372 = arith.constant 0 : i32
      %dma_wait3A_373 = tpu.memref_slice %arg21[%dma_wait3A_371, %dma_wait3A_372] : memref<10240x16xf32, #tpu.memory_space<vmem_shared>> -> memref<10240x16xf32, #tpu.memory_space<vmem_shared>>
      tpu.wait_indirect_dma semaphore(%arg32 : memref<!tpu.dma_semaphore, #tpu.memory_space<semaphore_mem>>) src(%arg19 : memref<80x16xf32, #tpu.memory_space<vmem>>) dst(%dma_wait3A_373 : memref<10240x16xf32, #tpu.memory_space<vmem_shared>>)
      %add3A_374 = arith.constant 3 : i32
      %add3A_375 = arith.addi %add3A_328, %add3A_374 : i32
      %mul3A_376 = arith.constant 80 : i32
      %mul3A_377 = arith.muli %add3A_375, %mul3A_376 : i32
      %add3A_378 = arith.addi %mul3A_4, %mul3A_377 : i32
      %dma_start3A_379 = arith.constant 1 : i32
      %dma_start3A_380 = tpu.memref_slice %arg3[%dma_start3A_379, %add3A_378] : memref<2x320000xi32, #tpu.memory_space<hbm>> -> memref<1x80xi32, #tpu.memory_space<hbm>>
      %dma_start3A_381 = tpu.memref_squeeze %dma_start3A_380 : memref<1x80xi32, #tpu.memory_space<hbm>> -> memref<80xi32, #tpu.memory_space<hbm>>
      %dma_start3A_382 = tpu.memref_slice %arg3[%dma_start3A_379, %add3A_378] : memref<2x320000xi32, #tpu.memory_space<hbm>> -> memref<1x80xi32, #tpu.memory_space<hbm>>
      %dma_start3A_383 = tpu.memref_squeeze %dma_start3A_382 : memref<1x80xi32, #tpu.memory_space<hbm>> -> memref<80xi32, #tpu.memory_space<hbm>>
      tpu.enqueue_dma source(%dma_start3A_383 : memref<80xi32, #tpu.memory_space<hbm>>) target(%arg14 : memref<80xi32, #tpu.memory_space<vmem>>) target_semaphore(%arg29 : memref<!tpu.dma_semaphore, #tpu.memory_space<semaphore_mem>>)
      %add3A_384 = arith.constant 2 : i32
      %add3A_385 = arith.addi %mul3A_269, %add3A_384 : i32
      %dma_wait3A_386 = arith.constant 0 : i32
      %dma_wait3A_387 = arith.constant 0 : i32
      %dma_wait3A_388 = tpu.memref_slice %arg4[%dma_wait3A_386, %dma_wait3A_387] : memref<10240x128xf32, #tpu.memory_space<hbm>> -> memref<80x128xf32, #tpu.memory_space<hbm>>
      %dma_wait3A_389 = arith.constant 0 : i32
      %dma_wait3A_390 = arith.constant 0 : i32
      %dma_wait3A_391 = tpu.memref_slice %arg4[%dma_wait3A_389, %dma_wait3A_390] : memref<10240x128xf32, #tpu.memory_space<hbm>> -> memref<80x128xf32, #tpu.memory_space<hbm>>
      tpu.wait_dma2 semaphore(%arg24 : memref<!tpu.dma_semaphore, #tpu.memory_space<semaphore_mem>>) src(%dma_wait3A_391 : memref<80x128xf32, #tpu.memory_space<hbm>>) dst(%arg18 : memref<80x128xf32, #tpu.memory_space<vmem>>)
      %add3A_392 = arith.constant 3 : i32
      %add3A_393 = arith.addi %add3A_385, %add3A_392 : i32
      %mul3A_394 = arith.constant 80 : i32
      %mul3A_395 = arith.muli %add3A_393, %mul3A_394 : i32
      %add3A_396 = arith.addi %mul3A_4, %mul3A_395 : i32
      %dma_start3A_397 = arith.constant 0 : i32
      %dma_start3A_398 = tpu.memref_slice %arg3[%dma_start3A_397, %add3A_396] : memref<2x320000xi32, #tpu.memory_space<hbm>> -> memref<1x80xi32, #tpu.memory_space<hbm>>
      %dma_start3A_399 = tpu.memref_squeeze %dma_start3A_398 : memref<1x80xi32, #tpu.memory_space<hbm>> -> memref<80xi32, #tpu.memory_space<hbm>>
      %dma_start3A_400 = tpu.memref_slice %arg3[%dma_start3A_397, %add3A_396] : memref<2x320000xi32, #tpu.memory_space<hbm>> -> memref<1x80xi32, #tpu.memory_space<hbm>>
      %dma_start3A_401 = tpu.memref_squeeze %dma_start3A_400 : memref<1x80xi32, #tpu.memory_space<hbm>> -> memref<80xi32, #tpu.memory_space<hbm>>
      tpu.enqueue_dma source(%dma_start3A_401 : memref<80xi32, #tpu.memory_space<hbm>>) target(%arg12 : memref<80xi32, #tpu.memory_space<vmem>>) target_semaphore(%arg27 : memref<!tpu.dma_semaphore, #tpu.memory_space<semaphore_mem>>)
      %dma_wait3A_402 = arith.constant 0 : i32
      %dma_wait3A_403 = arith.constant 0 : i32
      %dma_wait3A_404 = tpu.memref_slice %arg3[%dma_wait3A_402, %dma_wait3A_403] : memref<2x320000xi32, #tpu.memory_space<hbm>> -> memref<1x80xi32, #tpu.memory_space<hbm>>
      %dma_wait3A_405 = tpu.memref_squeeze %dma_wait3A_404 : memref<1x80xi32, #tpu.memory_space<hbm>> -> memref<80xi32, #tpu.memory_space<hbm>>
      %dma_wait3A_406 = arith.constant 0 : i32
      %dma_wait3A_407 = tpu.memref_slice %arg3[%dma_wait3A_402, %dma_wait3A_406] : memref<2x320000xi32, #tpu.memory_space<hbm>> -> memref<1x80xi32, #tpu.memory_space<hbm>>
      %dma_wait3A_408 = tpu.memref_squeeze %dma_wait3A_407 : memref<1x80xi32, #tpu.memory_space<hbm>> -> memref<80xi32, #tpu.memory_space<hbm>>
      tpu.wait_dma2 semaphore(%arg30 : memref<!tpu.dma_semaphore, #tpu.memory_space<semaphore_mem>>) src(%dma_wait3A_408 : memref<80xi32, #tpu.memory_space<hbm>>) dst(%arg15 : memref<80xi32, #tpu.memory_space<vmem>>)
      %dma_start3A_409 = arith.constant 0 : i32
      %dma_start3A_410 = arith.constant 0 : i32
      %dma_start3A_411 = tpu.memref_slice %arg20[%dma_start3A_409, %dma_start3A_410] : memref<10240x128xf32, #tpu.memory_space<vmem_shared>> -> memref<10240x128xf32, #tpu.memory_space<vmem_shared>>
      tpu.enqueue_indirect_dma source(%arg18 : memref<80x128xf32, #tpu.memory_space<vmem>>) target(%dma_start3A_411 : memref<10240x128xf32, #tpu.memory_space<vmem_shared>>) offsets(%arg15 : memref<80xi32, #tpu.memory_space<vmem>>) semaphore(%arg31 : memref<!tpu.dma_semaphore, #tpu.memory_space<semaphore_mem>>) {add = true}
      %dma_start3A_412 = arith.constant 0 : i32
      %dma_start3A_413 = arith.constant 0 : i32
      %dma_start3A_414 = tpu.memref_slice %arg21[%dma_start3A_412, %dma_start3A_413] : memref<10240x16xf32, #tpu.memory_space<vmem_shared>> -> memref<10240x16xf32, #tpu.memory_space<vmem_shared>>
      tpu.enqueue_indirect_dma source(%arg19 : memref<80x16xf32, #tpu.memory_space<vmem>>) target(%dma_start3A_414 : memref<10240x16xf32, #tpu.memory_space<vmem_shared>>) offsets(%arg15 : memref<80xi32, #tpu.memory_space<vmem>>) semaphore(%arg32 : memref<!tpu.dma_semaphore, #tpu.memory_space<semaphore_mem>>) {add = true}
      %dma_wait3A_415 = arith.constant 0 : i32
      %dma_wait3A_416 = arith.constant 0 : i32
      %dma_wait3A_417 = tpu.memref_slice %arg20[%dma_wait3A_415, %dma_wait3A_416] : memref<10240x128xf32, #tpu.memory_space<vmem_shared>> -> memref<10240x128xf32, #tpu.memory_space<vmem_shared>>
      tpu.wait_indirect_dma semaphore(%arg31 : memref<!tpu.dma_semaphore, #tpu.memory_space<semaphore_mem>>) src(%arg18 : memref<80x128xf32, #tpu.memory_space<vmem>>) dst(%dma_wait3A_417 : memref<10240x128xf32, #tpu.memory_space<vmem_shared>>)
      %dma_wait3A_418 = arith.constant 0 : i32
      %dma_wait3A_419 = arith.constant 0 : i32
      %dma_wait3A_420 = tpu.memref_slice %arg3[%dma_wait3A_418, %dma_wait3A_419] : memref<2x320000xi32, #tpu.memory_space<hbm>> -> memref<1x80xi32, #tpu.memory_space<hbm>>
      %dma_wait3A_421 = tpu.memref_squeeze %dma_wait3A_420 : memref<1x80xi32, #tpu.memory_space<hbm>> -> memref<80xi32, #tpu.memory_space<hbm>>
      %dma_wait3A_422 = arith.constant 0 : i32
      %dma_wait3A_423 = tpu.memref_slice %arg3[%dma_wait3A_418, %dma_wait3A_422] : memref<2x320000xi32, #tpu.memory_space<hbm>> -> memref<1x80xi32, #tpu.memory_space<hbm>>
      %dma_wait3A_424 = tpu.memref_squeeze %dma_wait3A_423 : memref<1x80xi32, #tpu.memory_space<hbm>> -> memref<80xi32, #tpu.memory_space<hbm>>
      tpu.wait_dma2 semaphore(%arg27 : memref<!tpu.dma_semaphore, #tpu.memory_space<semaphore_mem>>) src(%dma_wait3A_424 : memref<80xi32, #tpu.memory_space<hbm>>) dst(%arg12 : memref<80xi32, #tpu.memory_space<vmem>>)
      %dma_start3A_425 = arith.constant 0 : i32
      %dma_start3A_426 = arith.constant 0 : i32
      %dma_start3A_427 = tpu.memref_slice %arg2[%dma_start3A_425, %dma_start3A_426] : memref<10000x128xf32, #tpu.memory_space<hbm>> -> memref<10000x128xf32, #tpu.memory_space<hbm>>
      tpu.enqueue_indirect_dma source(%dma_start3A_427 : memref<10000x128xf32, #tpu.memory_space<hbm>>) target(%arg18 : memref<80x128xf32, #tpu.memory_space<vmem>>) offsets(%arg12 : memref<80xi32, #tpu.memory_space<vmem>>) semaphore(%arg24 : memref<!tpu.dma_semaphore, #tpu.memory_space<semaphore_mem>>)
      %dma_wait3A_428 = arith.constant 0 : i32
      %dma_wait3A_429 = arith.constant 0 : i32
      %dma_wait3A_430 = tpu.memref_slice %arg21[%dma_wait3A_428, %dma_wait3A_429] : memref<10240x16xf32, #tpu.memory_space<vmem_shared>> -> memref<10240x16xf32, #tpu.memory_space<vmem_shared>>
      tpu.wait_indirect_dma semaphore(%arg32 : memref<!tpu.dma_semaphore, #tpu.memory_space<semaphore_mem>>) src(%arg19 : memref<80x16xf32, #tpu.memory_space<vmem>>) dst(%dma_wait3A_430 : memref<10240x16xf32, #tpu.memory_space<vmem_shared>>)
      %add3A_431 = arith.constant 3 : i32
      %add3A_432 = arith.addi %add3A_385, %add3A_431 : i32
      %mul3A_433 = arith.constant 80 : i32
      %mul3A_434 = arith.muli %add3A_432, %mul3A_433 : i32
      %add3A_435 = arith.addi %mul3A_4, %mul3A_434 : i32
      %dma_start3A_436 = arith.constant 1 : i32
      %dma_start3A_437 = tpu.memref_slice %arg3[%dma_start3A_436, %add3A_435] : memref<2x320000xi32, #tpu.memory_space<hbm>> -> memref<1x80xi32, #tpu.memory_space<hbm>>
      %dma_start3A_438 = tpu.memref_squeeze %dma_start3A_437 : memref<1x80xi32, #tpu.memory_space<hbm>> -> memref<80xi32, #tpu.memory_space<hbm>>
      %dma_start3A_439 = tpu.memref_slice %arg3[%dma_start3A_436, %add3A_435] : memref<2x320000xi32, #tpu.memory_space<hbm>> -> memref<1x80xi32, #tpu.memory_space<hbm>>
      %dma_start3A_440 = tpu.memref_squeeze %dma_start3A_439 : memref<1x80xi32, #tpu.memory_space<hbm>> -> memref<80xi32, #tpu.memory_space<hbm>>
      tpu.enqueue_dma source(%dma_start3A_440 : memref<80xi32, #tpu.memory_space<hbm>>) target(%arg15 : memref<80xi32, #tpu.memory_space<vmem>>) target_semaphore(%arg30 : memref<!tpu.dma_semaphore, #tpu.memory_space<semaphore_mem>>)
    }
    %scan3A_85 = arith.constant 40 : i32
    %dma_wait3A_86 = arith.constant 0 : i32
    %dma_wait3A_87 = arith.constant 0 : i32
    %dma_wait3A_88 = tpu.memref_slice %arg4[%dma_wait3A_86, %dma_wait3A_87] : memref<10240x128xf32, #tpu.memory_space<hbm>> -> memref<80x128xf32, #tpu.memory_space<hbm>>
    %dma_wait3A_89 = arith.constant 0 : i32
    %dma_wait3A_90 = arith.constant 0 : i32
    %dma_wait3A_91 = tpu.memref_slice %arg4[%dma_wait3A_89, %dma_wait3A_90] : memref<10240x128xf32, #tpu.memory_space<hbm>> -> memref<80x128xf32, #tpu.memory_space<hbm>>
    tpu.wait_dma2 semaphore(%arg22 : memref<!tpu.dma_semaphore, #tpu.memory_space<semaphore_mem>>) src(%dma_wait3A_91 : memref<80x128xf32, #tpu.memory_space<hbm>>) dst(%arg16 : memref<80x128xf32, #tpu.memory_space<vmem>>)
    %add3A_92 = arith.constant 9840 : i32
    %add3A_93 = arith.addi %mul3A_4, %add3A_92 : i32
    %dma_start3A_94 = arith.constant 0 : i32
    %dma_start3A_95 = tpu.memref_slice %arg3[%dma_start3A_94, %add3A_93] : memref<2x320000xi32, #tpu.memory_space<hbm>> -> memref<1x80xi32, #tpu.memory_space<hbm>>
    %dma_start3A_96 = tpu.memref_squeeze %dma_start3A_95 : memref<1x80xi32, #tpu.memory_space<hbm>> -> memref<80xi32, #tpu.memory_space<hbm>>
    %dma_start3A_97 = tpu.memref_slice %arg3[%dma_start3A_94, %add3A_93] : memref<2x320000xi32, #tpu.memory_space<hbm>> -> memref<1x80xi32, #tpu.memory_space<hbm>>
    %dma_start3A_98 = tpu.memref_squeeze %dma_start3A_97 : memref<1x80xi32, #tpu.memory_space<hbm>> -> memref<80xi32, #tpu.memory_space<hbm>>
    tpu.enqueue_dma source(%dma_start3A_98 : memref<80xi32, #tpu.memory_space<hbm>>) target(%arg10 : memref<80xi32, #tpu.memory_space<vmem>>) target_semaphore(%arg25 : memref<!tpu.dma_semaphore, #tpu.memory_space<semaphore_mem>>)
    %dma_wait3A_99 = arith.constant 0 : i32
    %dma_wait3A_100 = arith.constant 0 : i32
    %dma_wait3A_101 = tpu.memref_slice %arg3[%dma_wait3A_99, %dma_wait3A_100] : memref<2x320000xi32, #tpu.memory_space<hbm>> -> memref<1x80xi32, #tpu.memory_space<hbm>>
    %dma_wait3A_102 = tpu.memref_squeeze %dma_wait3A_101 : memref<1x80xi32, #tpu.memory_space<hbm>> -> memref<80xi32, #tpu.memory_space<hbm>>
    %dma_wait3A_103 = arith.constant 0 : i32
    %dma_wait3A_104 = tpu.memref_slice %arg3[%dma_wait3A_99, %dma_wait3A_103] : memref<2x320000xi32, #tpu.memory_space<hbm>> -> memref<1x80xi32, #tpu.memory_space<hbm>>
    %dma_wait3A_105 = tpu.memref_squeeze %dma_wait3A_104 : memref<1x80xi32, #tpu.memory_space<hbm>> -> memref<80xi32, #tpu.memory_space<hbm>>
    tpu.wait_dma2 semaphore(%arg28 : memref<!tpu.dma_semaphore, #tpu.memory_space<semaphore_mem>>) src(%dma_wait3A_105 : memref<80xi32, #tpu.memory_space<hbm>>) dst(%arg13 : memref<80xi32, #tpu.memory_space<vmem>>)
    %dma_start3A_106 = arith.constant 0 : i32
    %dma_start3A_107 = arith.constant 0 : i32
    %dma_start3A_108 = tpu.memref_slice %arg20[%dma_start3A_106, %dma_start3A_107] : memref<10240x128xf32, #tpu.memory_space<vmem_shared>> -> memref<10240x128xf32, #tpu.memory_space<vmem_shared>>
    tpu.enqueue_indirect_dma source(%arg16 : memref<80x128xf32, #tpu.memory_space<vmem>>) target(%dma_start3A_108 : memref<10240x128xf32, #tpu.memory_space<vmem_shared>>) offsets(%arg13 : memref<80xi32, #tpu.memory_space<vmem>>) semaphore(%arg31 : memref<!tpu.dma_semaphore, #tpu.memory_space<semaphore_mem>>) {add = true}
    %dma_start3A_109 = arith.constant 0 : i32
    %dma_start3A_110 = arith.constant 0 : i32
    %dma_start3A_111 = tpu.memref_slice %arg21[%dma_start3A_109, %dma_start3A_110] : memref<10240x16xf32, #tpu.memory_space<vmem_shared>> -> memref<10240x16xf32, #tpu.memory_space<vmem_shared>>
    tpu.enqueue_indirect_dma source(%arg19 : memref<80x16xf32, #tpu.memory_space<vmem>>) target(%dma_start3A_111 : memref<10240x16xf32, #tpu.memory_space<vmem_shared>>) offsets(%arg13 : memref<80xi32, #tpu.memory_space<vmem>>) semaphore(%arg32 : memref<!tpu.dma_semaphore, #tpu.memory_space<semaphore_mem>>) {add = true}
    %dma_wait3A_112 = arith.constant 0 : i32
    %dma_wait3A_113 = arith.constant 0 : i32
    %dma_wait3A_114 = tpu.memref_slice %arg20[%dma_wait3A_112, %dma_wait3A_113] : memref<10240x128xf32, #tpu.memory_space<vmem_shared>> -> memref<10240x128xf32, #tpu.memory_space<vmem_shared>>
    tpu.wait_indirect_dma semaphore(%arg31 : memref<!tpu.dma_semaphore, #tpu.memory_space<semaphore_mem>>) src(%arg16 : memref<80x128xf32, #tpu.memory_space<vmem>>) dst(%dma_wait3A_114 : memref<10240x128xf32, #tpu.memory_space<vmem_shared>>)
    %dma_wait3A_115 = arith.constant 0 : i32
    %dma_wait3A_116 = arith.constant 0 : i32
    %dma_wait3A_117 = tpu.memref_slice %arg3[%dma_wait3A_115, %dma_wait3A_116] : memref<2x320000xi32, #tpu.memory_space<hbm>> -> memref<1x80xi32, #tpu.memory_space<hbm>>
    %dma_wait3A_118 = tpu.memref_squeeze %dma_wait3A_117 : memref<1x80xi32, #tpu.memory_space<hbm>> -> memref<80xi32, #tpu.memory_space<hbm>>
    %dma_wait3A_119 = arith.constant 0 : i32
    %dma_wait3A_120 = tpu.memref_slice %arg3[%dma_wait3A_115, %dma_wait3A_119] : memref<2x320000xi32, #tpu.memory_space<hbm>> -> memref<1x80xi32, #tpu.memory_space<hbm>>
    %dma_wait3A_121 = tpu.memref_squeeze %dma_wait3A_120 : memref<1x80xi32, #tpu.memory_space<hbm>> -> memref<80xi32, #tpu.memory_space<hbm>>
    tpu.wait_dma2 semaphore(%arg25 : memref<!tpu.dma_semaphore, #tpu.memory_space<semaphore_mem>>) src(%dma_wait3A_121 : memref<80xi32, #tpu.memory_space<hbm>>) dst(%arg10 : memref<80xi32, #tpu.memory_space<vmem>>)
    %dma_start3A_122 = arith.constant 0 : i32
    %dma_start3A_123 = arith.constant 0 : i32
    %dma_start3A_124 = tpu.memref_slice %arg2[%dma_start3A_122, %dma_start3A_123] : memref<10000x128xf32, #tpu.memory_space<hbm>> -> memref<10000x128xf32, #tpu.memory_space<hbm>>
    tpu.enqueue_indirect_dma source(%dma_start3A_124 : memref<10000x128xf32, #tpu.memory_space<hbm>>) target(%arg16 : memref<80x128xf32, #tpu.memory_space<vmem>>) offsets(%arg10 : memref<80xi32, #tpu.memory_space<vmem>>) semaphore(%arg22 : memref<!tpu.dma_semaphore, #tpu.memory_space<semaphore_mem>>)
    %dma_wait3A_125 = arith.constant 0 : i32
    %dma_wait3A_126 = arith.constant 0 : i32
    %dma_wait3A_127 = tpu.memref_slice %arg21[%dma_wait3A_125, %dma_wait3A_126] : memref<10240x16xf32, #tpu.memory_space<vmem_shared>> -> memref<10240x16xf32, #tpu.memory_space<vmem_shared>>
    tpu.wait_indirect_dma semaphore(%arg32 : memref<!tpu.dma_semaphore, #tpu.memory_space<semaphore_mem>>) src(%arg19 : memref<80x16xf32, #tpu.memory_space<vmem>>) dst(%dma_wait3A_127 : memref<10240x16xf32, #tpu.memory_space<vmem_shared>>)
    %add3A_128 = arith.constant 9840 : i32
    %add3A_129 = arith.addi %mul3A_4, %add3A_128 : i32
    %dma_start3A_130 = arith.constant 1 : i32
    %dma_start3A_131 = tpu.memref_slice %arg3[%dma_start3A_130, %add3A_129] : memref<2x320000xi32, #tpu.memory_space<hbm>> -> memref<1x80xi32, #tpu.memory_space<hbm>>
    %dma_start3A_132 = tpu.memref_squeeze %dma_start3A_131 : memref<1x80xi32, #tpu.memory_space<hbm>> -> memref<80xi32, #tpu.memory_space<hbm>>
    %dma_start3A_133 = tpu.memref_slice %arg3[%dma_start3A_130, %add3A_129] : memref<2x320000xi32, #tpu.memory_space<hbm>> -> memref<1x80xi32, #tpu.memory_space<hbm>>
    %dma_start3A_134 = tpu.memref_squeeze %dma_start3A_133 : memref<1x80xi32, #tpu.memory_space<hbm>> -> memref<80xi32, #tpu.memory_space<hbm>>
    tpu.enqueue_dma source(%dma_start3A_134 : memref<80xi32, #tpu.memory_space<hbm>>) target(%arg13 : memref<80xi32, #tpu.memory_space<vmem>>) target_semaphore(%arg28 : memref<!tpu.dma_semaphore, #tpu.memory_space<semaphore_mem>>)
    %dma_wait3A_135 = arith.constant 0 : i32
    %dma_wait3A_136 = arith.constant 0 : i32
    %dma_wait3A_137 = tpu.memref_slice %arg4[%dma_wait3A_135, %dma_wait3A_136] : memref<10240x128xf32, #tpu.memory_space<hbm>> -> memref<80x128xf32, #tpu.memory_space<hbm>>
    %dma_wait3A_138 = arith.constant 0 : i32
    %dma_wait3A_139 = arith.constant 0 : i32
    %dma_wait3A_140 = tpu.memref_slice %arg4[%dma_wait3A_138, %dma_wait3A_139] : memref<10240x128xf32, #tpu.memory_space<hbm>> -> memref<80x128xf32, #tpu.memory_space<hbm>>
    tpu.wait_dma2 semaphore(%arg23 : memref<!tpu.dma_semaphore, #tpu.memory_space<semaphore_mem>>) src(%dma_wait3A_140 : memref<80x128xf32, #tpu.memory_space<hbm>>) dst(%arg17 : memref<80x128xf32, #tpu.memory_space<vmem>>)
    %add3A_141 = arith.constant 9920 : i32
    %add3A_142 = arith.addi %mul3A_4, %add3A_141 : i32
    %dma_start3A_143 = arith.constant 0 : i32
    %dma_start3A_144 = tpu.memref_slice %arg3[%dma_start3A_143, %add3A_142] : memref<2x320000xi32, #tpu.memory_space<hbm>> -> memref<1x80xi32, #tpu.memory_space<hbm>>
    %dma_start3A_145 = tpu.memref_squeeze %dma_start3A_144 : memref<1x80xi32, #tpu.memory_space<hbm>> -> memref<80xi32, #tpu.memory_space<hbm>>
    %dma_start3A_146 = tpu.memref_slice %arg3[%dma_start3A_143, %add3A_142] : memref<2x320000xi32, #tpu.memory_space<hbm>> -> memref<1x80xi32, #tpu.memory_space<hbm>>
    %dma_start3A_147 = tpu.memref_squeeze %dma_start3A_146 : memref<1x80xi32, #tpu.memory_space<hbm>> -> memref<80xi32, #tpu.memory_space<hbm>>
    tpu.enqueue_dma source(%dma_start3A_147 : memref<80xi32, #tpu.memory_space<hbm>>) target(%arg11 : memref<80xi32, #tpu.memory_space<vmem>>) target_semaphore(%arg26 : memref<!tpu.dma_semaphore, #tpu.memory_space<semaphore_mem>>)
    %dma_wait3A_148 = arith.constant 0 : i32
    %dma_wait3A_149 = arith.constant 0 : i32
    %dma_wait3A_150 = tpu.memref_slice %arg3[%dma_wait3A_148, %dma_wait3A_149] : memref<2x320000xi32, #tpu.memory_space<hbm>> -> memref<1x80xi32, #tpu.memory_space<hbm>>
    %dma_wait3A_151 = tpu.memref_squeeze %dma_wait3A_150 : memref<1x80xi32, #tpu.memory_space<hbm>> -> memref<80xi32, #tpu.memory_space<hbm>>
    %dma_wait3A_152 = arith.constant 0 : i32
    %dma_wait3A_153 = tpu.memref_slice %arg3[%dma_wait3A_148, %dma_wait3A_152] : memref<2x320000xi32, #tpu.memory_space<hbm>> -> memref<1x80xi32, #tpu.memory_space<hbm>>
    %dma_wait3A_154 = tpu.memref_squeeze %dma_wait3A_153 : memref<1x80xi32, #tpu.memory_space<hbm>> -> memref<80xi32, #tpu.memory_space<hbm>>
    tpu.wait_dma2 semaphore(%arg29 : memref<!tpu.dma_semaphore, #tpu.memory_space<semaphore_mem>>) src(%dma_wait3A_154 : memref<80xi32, #tpu.memory_space<hbm>>) dst(%arg14 : memref<80xi32, #tpu.memory_space<vmem>>)
    %dma_start3A_155 = arith.constant 0 : i32
    %dma_start3A_156 = arith.constant 0 : i32
    %dma_start3A_157 = tpu.memref_slice %arg20[%dma_start3A_155, %dma_start3A_156] : memref<10240x128xf32, #tpu.memory_space<vmem_shared>> -> memref<10240x128xf32, #tpu.memory_space<vmem_shared>>
    tpu.enqueue_indirect_dma source(%arg17 : memref<80x128xf32, #tpu.memory_space<vmem>>) target(%dma_start3A_157 : memref<10240x128xf32, #tpu.memory_space<vmem_shared>>) offsets(%arg14 : memref<80xi32, #tpu.memory_space<vmem>>) semaphore(%arg31 : memref<!tpu.dma_semaphore, #tpu.memory_space<semaphore_mem>>) {add = true}
    %dma_start3A_158 = arith.constant 0 : i32
    %dma_start3A_159 = arith.constant 0 : i32
    %dma_start3A_160 = tpu.memref_slice %arg21[%dma_start3A_158, %dma_start3A_159] : memref<10240x16xf32, #tpu.memory_space<vmem_shared>> -> memref<10240x16xf32, #tpu.memory_space<vmem_shared>>
    tpu.enqueue_indirect_dma source(%arg19 : memref<80x16xf32, #tpu.memory_space<vmem>>) target(%dma_start3A_160 : memref<10240x16xf32, #tpu.memory_space<vmem_shared>>) offsets(%arg14 : memref<80xi32, #tpu.memory_space<vmem>>) semaphore(%arg32 : memref<!tpu.dma_semaphore, #tpu.memory_space<semaphore_mem>>) {add = true}
    %dma_wait3A_161 = arith.constant 0 : i32
    %dma_wait3A_162 = arith.constant 0 : i32
    %dma_wait3A_163 = tpu.memref_slice %arg20[%dma_wait3A_161, %dma_wait3A_162] : memref<10240x128xf32, #tpu.memory_space<vmem_shared>> -> memref<10240x128xf32, #tpu.memory_space<vmem_shared>>
    tpu.wait_indirect_dma semaphore(%arg31 : memref<!tpu.dma_semaphore, #tpu.memory_space<semaphore_mem>>) src(%arg17 : memref<80x128xf32, #tpu.memory_space<vmem>>) dst(%dma_wait3A_163 : memref<10240x128xf32, #tpu.memory_space<vmem_shared>>)
    %dma_wait3A_164 = arith.constant 0 : i32
    %dma_wait3A_165 = arith.constant 0 : i32
    %dma_wait3A_166 = tpu.memref_slice %arg3[%dma_wait3A_164, %dma_wait3A_165] : memref<2x320000xi32, #tpu.memory_space<hbm>> -> memref<1x80xi32, #tpu.memory_space<hbm>>
    %dma_wait3A_167 = tpu.memref_squeeze %dma_wait3A_166 : memref<1x80xi32, #tpu.memory_space<hbm>> -> memref<80xi32, #tpu.memory_space<hbm>>
    %dma_wait3A_168 = arith.constant 0 : i32
    %dma_wait3A_169 = tpu.memref_slice %arg3[%dma_wait3A_164, %dma_wait3A_168] : memref<2x320000xi32, #tpu.memory_space<hbm>> -> memref<1x80xi32, #tpu.memory_space<hbm>>
    %dma_wait3A_170 = tpu.memref_squeeze %dma_wait3A_169 : memref<1x80xi32, #tpu.memory_space<hbm>> -> memref<80xi32, #tpu.memory_space<hbm>>
    tpu.wait_dma2 semaphore(%arg26 : memref<!tpu.dma_semaphore, #tpu.memory_space<semaphore_mem>>) src(%dma_wait3A_170 : memref<80xi32, #tpu.memory_space<hbm>>) dst(%arg11 : memref<80xi32, #tpu.memory_space<vmem>>)
    %dma_start3A_171 = arith.constant 0 : i32
    %dma_start3A_172 = arith.constant 0 : i32
    %dma_start3A_173 = tpu.memref_slice %arg2[%dma_start3A_171, %dma_start3A_172] : memref<10000x128xf32, #tpu.memory_space<hbm>> -> memref<10000x128xf32, #tpu.memory_space<hbm>>
    tpu.enqueue_indirect_dma source(%dma_start3A_173 : memref<10000x128xf32, #tpu.memory_space<hbm>>) target(%arg17 : memref<80x128xf32, #tpu.memory_space<vmem>>) offsets(%arg11 : memref<80xi32, #tpu.memory_space<vmem>>) semaphore(%arg23 : memref<!tpu.dma_semaphore, #tpu.memory_space<semaphore_mem>>)
    %dma_wait3A_174 = arith.constant 0 : i32
    %dma_wait3A_175 = arith.constant 0 : i32
    %dma_wait3A_176 = tpu.memref_slice %arg21[%dma_wait3A_174, %dma_wait3A_175] : memref<10240x16xf32, #tpu.memory_space<vmem_shared>> -> memref<10240x16xf32, #tpu.memory_space<vmem_shared>>
    tpu.wait_indirect_dma semaphore(%arg32 : memref<!tpu.dma_semaphore, #tpu.memory_space<semaphore_mem>>) src(%arg19 : memref<80x16xf32, #tpu.memory_space<vmem>>) dst(%dma_wait3A_176 : memref<10240x16xf32, #tpu.memory_space<vmem_shared>>)
    %add3A_177 = arith.constant 9920 : i32
    %add3A_178 = arith.addi %mul3A_4, %add3A_177 : i32
    %dma_start3A_179 = arith.constant 1 : i32
    %dma_start3A_180 = tpu.memref_slice %arg3[%dma_start3A_179, %add3A_178] : memref<2x320000xi32, #tpu.memory_space<hbm>> -> memref<1x80xi32, #tpu.memory_space<hbm>>
    %dma_start3A_181 = tpu.memref_squeeze %dma_start3A_180 : memref<1x80xi32, #tpu.memory_space<hbm>> -> memref<80xi32, #tpu.memory_space<hbm>>
    %dma_start3A_182 = tpu.memref_slice %arg3[%dma_start3A_179, %add3A_178] : memref<2x320000xi32, #tpu.memory_space<hbm>> -> memref<1x80xi32, #tpu.memory_space<hbm>>
    %dma_start3A_183 = tpu.memref_squeeze %dma_start3A_182 : memref<1x80xi32, #tpu.memory_space<hbm>> -> memref<80xi32, #tpu.memory_space<hbm>>
    tpu.enqueue_dma source(%dma_start3A_183 : memref<80xi32, #tpu.memory_space<hbm>>) target(%arg14 : memref<80xi32, #tpu.memory_space<vmem>>) target_semaphore(%arg29 : memref<!tpu.dma_semaphore, #tpu.memory_space<semaphore_mem>>)
    %dma_wait3A_184 = arith.constant 0 : i32
    %dma_wait3A_185 = arith.constant 0 : i32
    %dma_wait3A_186 = tpu.memref_slice %arg4[%dma_wait3A_184, %dma_wait3A_185] : memref<10240x128xf32, #tpu.memory_space<hbm>> -> memref<80x128xf32, #tpu.memory_space<hbm>>
    %dma_wait3A_187 = arith.constant 0 : i32
    %dma_wait3A_188 = arith.constant 0 : i32
    %dma_wait3A_189 = tpu.memref_slice %arg4[%dma_wait3A_187, %dma_wait3A_188] : memref<10240x128xf32, #tpu.memory_space<hbm>> -> memref<80x128xf32, #tpu.memory_space<hbm>>
    tpu.wait_dma2 semaphore(%arg24 : memref<!tpu.dma_semaphore, #tpu.memory_space<semaphore_mem>>) src(%dma_wait3A_189 : memref<80x128xf32, #tpu.memory_space<hbm>>) dst(%arg18 : memref<80x128xf32, #tpu.memory_space<vmem>>)
    %dma_wait3A_190 = arith.constant 0 : i32
    %dma_wait3A_191 = arith.constant 0 : i32
    %dma_wait3A_192 = tpu.memref_slice %arg3[%dma_wait3A_190, %dma_wait3A_191] : memref<2x320000xi32, #tpu.memory_space<hbm>> -> memref<1x80xi32, #tpu.memory_space<hbm>>
    %dma_wait3A_193 = tpu.memref_squeeze %dma_wait3A_192 : memref<1x80xi32, #tpu.memory_space<hbm>> -> memref<80xi32, #tpu.memory_space<hbm>>
    %dma_wait3A_194 = arith.constant 0 : i32
    %dma_wait3A_195 = tpu.memref_slice %arg3[%dma_wait3A_190, %dma_wait3A_194] : memref<2x320000xi32, #tpu.memory_space<hbm>> -> memref<1x80xi32, #tpu.memory_space<hbm>>
    %dma_wait3A_196 = tpu.memref_squeeze %dma_wait3A_195 : memref<1x80xi32, #tpu.memory_space<hbm>> -> memref<80xi32, #tpu.memory_space<hbm>>
    tpu.wait_dma2 semaphore(%arg30 : memref<!tpu.dma_semaphore, #tpu.memory_space<semaphore_mem>>) src(%dma_wait3A_196 : memref<80xi32, #tpu.memory_space<hbm>>) dst(%arg15 : memref<80xi32, #tpu.memory_space<vmem>>)
    %dma_start3A_197 = arith.constant 0 : i32
    %dma_start3A_198 = arith.constant 0 : i32
    %dma_start3A_199 = tpu.memref_slice %arg20[%dma_start3A_197, %dma_start3A_198] : memref<10240x128xf32, #tpu.memory_space<vmem_shared>> -> memref<10240x128xf32, #tpu.memory_space<vmem_shared>>
    tpu.enqueue_indirect_dma source(%arg18 : memref<80x128xf32, #tpu.memory_space<vmem>>) target(%dma_start3A_199 : memref<10240x128xf32, #tpu.memory_space<vmem_shared>>) offsets(%arg15 : memref<80xi32, #tpu.memory_space<vmem>>) semaphore(%arg31 : memref<!tpu.dma_semaphore, #tpu.memory_space<semaphore_mem>>) {add = true}
    %dma_start3A_200 = arith.constant 0 : i32
    %dma_start3A_201 = arith.constant 0 : i32
    %dma_start3A_202 = tpu.memref_slice %arg21[%dma_start3A_200, %dma_start3A_201] : memref<10240x16xf32, #tpu.memory_space<vmem_shared>> -> memref<10240x16xf32, #tpu.memory_space<vmem_shared>>
    tpu.enqueue_indirect_dma source(%arg19 : memref<80x16xf32, #tpu.memory_space<vmem>>) target(%dma_start3A_202 : memref<10240x16xf32, #tpu.memory_space<vmem_shared>>) offsets(%arg15 : memref<80xi32, #tpu.memory_space<vmem>>) semaphore(%arg32 : memref<!tpu.dma_semaphore, #tpu.memory_space<semaphore_mem>>) {add = true}
    %dma_wait3A_203 = arith.constant 0 : i32
    %dma_wait3A_204 = arith.constant 0 : i32
    %dma_wait3A_205 = tpu.memref_slice %arg20[%dma_wait3A_203, %dma_wait3A_204] : memref<10240x128xf32, #tpu.memory_space<vmem_shared>> -> memref<10240x128xf32, #tpu.memory_space<vmem_shared>>
    tpu.wait_indirect_dma semaphore(%arg31 : memref<!tpu.dma_semaphore, #tpu.memory_space<semaphore_mem>>) src(%arg18 : memref<80x128xf32, #tpu.memory_space<vmem>>) dst(%dma_wait3A_205 : memref<10240x128xf32, #tpu.memory_space<vmem_shared>>)
    %dma_wait3A_206 = arith.constant 0 : i32
    %dma_wait3A_207 = arith.constant 0 : i32
    %dma_wait3A_208 = tpu.memref_slice %arg21[%dma_wait3A_206, %dma_wait3A_207] : memref<10240x16xf32, #tpu.memory_space<vmem_shared>> -> memref<10240x16xf32, #tpu.memory_space<vmem_shared>>
    tpu.wait_indirect_dma semaphore(%arg32 : memref<!tpu.dma_semaphore, #tpu.memory_space<semaphore_mem>>) src(%arg19 : memref<80x16xf32, #tpu.memory_space<vmem>>) dst(%dma_wait3A_208 : memref<10240x16xf32, #tpu.memory_space<vmem_shared>>)
    %dma_wait3A_209 = arith.constant 0 : i32
    %dma_wait3A_210 = arith.constant 0 : i32
    %dma_wait3A_211 = tpu.memref_slice %arg4[%dma_wait3A_209, %dma_wait3A_210] : memref<10240x128xf32, #tpu.memory_space<hbm>> -> memref<80x128xf32, #tpu.memory_space<hbm>>
    %dma_wait3A_212 = arith.constant 0 : i32
    %dma_wait3A_213 = arith.constant 0 : i32
    %dma_wait3A_214 = tpu.memref_slice %arg4[%dma_wait3A_212, %dma_wait3A_213] : memref<10240x128xf32, #tpu.memory_space<hbm>> -> memref<80x128xf32, #tpu.memory_space<hbm>>
    tpu.wait_dma2 semaphore(%arg22 : memref<!tpu.dma_semaphore, #tpu.memory_space<semaphore_mem>>) src(%dma_wait3A_214 : memref<80x128xf32, #tpu.memory_space<hbm>>) dst(%arg16 : memref<80x128xf32, #tpu.memory_space<vmem>>)
    %dma_wait3A_215 = arith.constant 0 : i32
    %dma_wait3A_216 = arith.constant 0 : i32
    %dma_wait3A_217 = tpu.memref_slice %arg3[%dma_wait3A_215, %dma_wait3A_216] : memref<2x320000xi32, #tpu.memory_space<hbm>> -> memref<1x80xi32, #tpu.memory_space<hbm>>
    %dma_wait3A_218 = tpu.memref_squeeze %dma_wait3A_217 : memref<1x80xi32, #tpu.memory_space<hbm>> -> memref<80xi32, #tpu.memory_space<hbm>>
    %dma_wait3A_219 = arith.constant 0 : i32
    %dma_wait3A_220 = tpu.memref_slice %arg3[%dma_wait3A_215, %dma_wait3A_219] : memref<2x320000xi32, #tpu.memory_space<hbm>> -> memref<1x80xi32, #tpu.memory_space<hbm>>
    %dma_wait3A_221 = tpu.memref_squeeze %dma_wait3A_220 : memref<1x80xi32, #tpu.memory_space<hbm>> -> memref<80xi32, #tpu.memory_space<hbm>>
    tpu.wait_dma2 semaphore(%arg28 : memref<!tpu.dma_semaphore, #tpu.memory_space<semaphore_mem>>) src(%dma_wait3A_221 : memref<80xi32, #tpu.memory_space<hbm>>) dst(%arg13 : memref<80xi32, #tpu.memory_space<vmem>>)
    %dma_start3A_222 = arith.constant 0 : i32
    %dma_start3A_223 = arith.constant 0 : i32
    %dma_start3A_224 = tpu.memref_slice %arg20[%dma_start3A_222, %dma_start3A_223] : memref<10240x128xf32, #tpu.memory_space<vmem_shared>> -> memref<10240x128xf32, #tpu.memory_space<vmem_shared>>
    tpu.enqueue_indirect_dma source(%arg16 : memref<80x128xf32, #tpu.memory_space<vmem>>) target(%dma_start3A_224 : memref<10240x128xf32, #tpu.memory_space<vmem_shared>>) offsets(%arg13 : memref<80xi32, #tpu.memory_space<vmem>>) semaphore(%arg31 : memref<!tpu.dma_semaphore, #tpu.memory_space<semaphore_mem>>) {add = true}
    %dma_start3A_225 = arith.constant 0 : i32
    %dma_start3A_226 = arith.constant 0 : i32
    %dma_start3A_227 = tpu.memref_slice %arg21[%dma_start3A_225, %dma_start3A_226] : memref<10240x16xf32, #tpu.memory_space<vmem_shared>> -> memref<10240x16xf32, #tpu.memory_space<vmem_shared>>
    tpu.enqueue_indirect_dma source(%arg19 : memref<80x16xf32, #tpu.memory_space<vmem>>) target(%dma_start3A_227 : memref<10240x16xf32, #tpu.memory_space<vmem_shared>>) offsets(%arg13 : memref<80xi32, #tpu.memory_space<vmem>>) semaphore(%arg32 : memref<!tpu.dma_semaphore, #tpu.memory_space<semaphore_mem>>) {add = true}
    %dma_wait3A_228 = arith.constant 0 : i32
    %dma_wait3A_229 = arith.constant 0 : i32
    %dma_wait3A_230 = tpu.memref_slice %arg20[%dma_wait3A_228, %dma_wait3A_229] : memref<10240x128xf32, #tpu.memory_space<vmem_shared>> -> memref<10240x128xf32, #tpu.memory_space<vmem_shared>>
    tpu.wait_indirect_dma semaphore(%arg31 : memref<!tpu.dma_semaphore, #tpu.memory_space<semaphore_mem>>) src(%arg16 : memref<80x128xf32, #tpu.memory_space<vmem>>) dst(%dma_wait3A_230 : memref<10240x128xf32, #tpu.memory_space<vmem_shared>>)
    %dma_wait3A_231 = arith.constant 0 : i32
    %dma_wait3A_232 = arith.constant 0 : i32
    %dma_wait3A_233 = tpu.memref_slice %arg21[%dma_wait3A_231, %dma_wait3A_232] : memref<10240x16xf32, #tpu.memory_space<vmem_shared>> -> memref<10240x16xf32, #tpu.memory_space<vmem_shared>>
    tpu.wait_indirect_dma semaphore(%arg32 : memref<!tpu.dma_semaphore, #tpu.memory_space<semaphore_mem>>) src(%arg19 : memref<80x16xf32, #tpu.memory_space<vmem>>) dst(%dma_wait3A_233 : memref<10240x16xf32, #tpu.memory_space<vmem_shared>>)
    %dma_wait3A_234 = arith.constant 0 : i32
    %dma_wait3A_235 = arith.constant 0 : i32
    %dma_wait3A_236 = tpu.memref_slice %arg4[%dma_wait3A_234, %dma_wait3A_235] : memref<10240x128xf32, #tpu.memory_space<hbm>> -> memref<80x128xf32, #tpu.memory_space<hbm>>
    %dma_wait3A_237 = arith.constant 0 : i32
    %dma_wait3A_238 = arith.constant 0 : i32
    %dma_wait3A_239 = tpu.memref_slice %arg4[%dma_wait3A_237, %dma_wait3A_238] : memref<10240x128xf32, #tpu.memory_space<hbm>> -> memref<80x128xf32, #tpu.memory_space<hbm>>
    tpu.wait_dma2 semaphore(%arg23 : memref<!tpu.dma_semaphore, #tpu.memory_space<semaphore_mem>>) src(%dma_wait3A_239 : memref<80x128xf32, #tpu.memory_space<hbm>>) dst(%arg17 : memref<80x128xf32, #tpu.memory_space<vmem>>)
    %dma_wait3A_240 = arith.constant 0 : i32
    %dma_wait3A_241 = arith.constant 0 : i32
    %dma_wait3A_242 = tpu.memref_slice %arg3[%dma_wait3A_240, %dma_wait3A_241] : memref<2x320000xi32, #tpu.memory_space<hbm>> -> memref<1x80xi32, #tpu.memory_space<hbm>>
    %dma_wait3A_243 = tpu.memref_squeeze %dma_wait3A_242 : memref<1x80xi32, #tpu.memory_space<hbm>> -> memref<80xi32, #tpu.memory_space<hbm>>
    %dma_wait3A_244 = arith.constant 0 : i32
    %dma_wait3A_245 = tpu.memref_slice %arg3[%dma_wait3A_240, %dma_wait3A_244] : memref<2x320000xi32, #tpu.memory_space<hbm>> -> memref<1x80xi32, #tpu.memory_space<hbm>>
    %dma_wait3A_246 = tpu.memref_squeeze %dma_wait3A_245 : memref<1x80xi32, #tpu.memory_space<hbm>> -> memref<80xi32, #tpu.memory_space<hbm>>
    tpu.wait_dma2 semaphore(%arg29 : memref<!tpu.dma_semaphore, #tpu.memory_space<semaphore_mem>>) src(%dma_wait3A_246 : memref<80xi32, #tpu.memory_space<hbm>>) dst(%arg14 : memref<80xi32, #tpu.memory_space<vmem>>)
    %dma_start3A_247 = arith.constant 0 : i32
    %dma_start3A_248 = arith.constant 0 : i32
    %dma_start3A_249 = tpu.memref_slice %arg20[%dma_start3A_247, %dma_start3A_248] : memref<10240x128xf32, #tpu.memory_space<vmem_shared>> -> memref<10240x128xf32, #tpu.memory_space<vmem_shared>>
    tpu.enqueue_indirect_dma source(%arg17 : memref<80x128xf32, #tpu.memory_space<vmem>>) target(%dma_start3A_249 : memref<10240x128xf32, #tpu.memory_space<vmem_shared>>) offsets(%arg14 : memref<80xi32, #tpu.memory_space<vmem>>) semaphore(%arg31 : memref<!tpu.dma_semaphore, #tpu.memory_space<semaphore_mem>>) {add = true}
    %dma_start3A_250 = arith.constant 0 : i32
    %dma_start3A_251 = arith.constant 0 : i32
    %dma_start3A_252 = tpu.memref_slice %arg21[%dma_start3A_250, %dma_start3A_251] : memref<10240x16xf32, #tpu.memory_space<vmem_shared>> -> memref<10240x16xf32, #tpu.memory_space<vmem_shared>>
    tpu.enqueue_indirect_dma source(%arg19 : memref<80x16xf32, #tpu.memory_space<vmem>>) target(%dma_start3A_252 : memref<10240x16xf32, #tpu.memory_space<vmem_shared>>) offsets(%arg14 : memref<80xi32, #tpu.memory_space<vmem>>) semaphore(%arg32 : memref<!tpu.dma_semaphore, #tpu.memory_space<semaphore_mem>>) {add = true}
    %dma_wait3A_253 = arith.constant 0 : i32
    %dma_wait3A_254 = arith.constant 0 : i32
    %dma_wait3A_255 = tpu.memref_slice %arg20[%dma_wait3A_253, %dma_wait3A_254] : memref<10240x128xf32, #tpu.memory_space<vmem_shared>> -> memref<10240x128xf32, #tpu.memory_space<vmem_shared>>
    tpu.wait_indirect_dma semaphore(%arg31 : memref<!tpu.dma_semaphore, #tpu.memory_space<semaphore_mem>>) src(%arg17 : memref<80x128xf32, #tpu.memory_space<vmem>>) dst(%dma_wait3A_255 : memref<10240x128xf32, #tpu.memory_space<vmem_shared>>)
    %dma_wait3A_256 = arith.constant 0 : i32
    %dma_wait3A_257 = arith.constant 0 : i32
    %dma_wait3A_258 = tpu.memref_slice %arg21[%dma_wait3A_256, %dma_wait3A_257] : memref<10240x16xf32, #tpu.memory_space<vmem_shared>> -> memref<10240x16xf32, #tpu.memory_space<vmem_shared>>
    tpu.wait_indirect_dma semaphore(%arg32 : memref<!tpu.dma_semaphore, #tpu.memory_space<semaphore_mem>>) src(%arg19 : memref<80x16xf32, #tpu.memory_space<vmem>>) dst(%dma_wait3A_258 : memref<10240x16xf32, #tpu.memory_space<vmem_shared>>)
    %barrier3A_259 = arith.constant 0 : index
    tpu.barrier barrier_id(%barrier3A_259)
    %eq3A = arith.constant 0 : i32
    %eq3A_260 = arith.cmpi eq, %arg0, %eq3A : i32
    %convert_element_type3A = arith.extui %eq3A_260 : i1 to i32
    %cond3A = arith.constant 0 : i32
    %cond3A_261 = arith.cmpi ne, %convert_element_type3A, %cond3A : i32
    scf.if %cond3A_261 {
      "tpu.region"() ({
        %run_scoped3A = tpu.sem_alloc : memref<!tpu.dma_semaphore, #tpu.memory_space<semaphore_mem>>
        %dma_start3A_267 = arith.constant 0 : i32
        %dma_start3A_268 = tpu.memref_slice %arg6[%mul3A_2, %dma_start3A_267] : memref<10240x128xf32, #tpu.memory_space<hbm>> -> memref<640x128xf32, #tpu.memory_space<hbm>>
        %dma_start3A_269 = arith.constant 0 : i32
        %dma_start3A_270 = tpu.memref_slice %arg20[%mul3A_2, %dma_start3A_269] : memref<10240x128xf32, #tpu.memory_space<vmem_shared>> -> memref<640x128xf32, #tpu.memory_space<vmem_shared>>
        tpu.enqueue_dma source(%dma_start3A_270 : memref<640x128xf32, #tpu.memory_space<vmem_shared>>) target(%dma_start3A_268 : memref<640x128xf32, #tpu.memory_space<hbm>>) target_semaphore(%run_scoped3A : memref<!tpu.dma_semaphore, #tpu.memory_space<semaphore_mem>>)
        %dma_wait3A_271 = arith.constant 0 : i32
        %dma_wait3A_272 = tpu.memref_slice %arg6[%mul3A_2, %dma_wait3A_271] : memref<10240x128xf32, #tpu.memory_space<hbm>> -> memref<640x128xf32, #tpu.memory_space<hbm>>
        %dma_wait3A_273 = arith.constant 0 : i32
        %dma_wait3A_274 = tpu.memref_slice %arg20[%mul3A_2, %dma_wait3A_273] : memref<10240x128xf32, #tpu.memory_space<vmem_shared>> -> memref<640x128xf32, #tpu.memory_space<vmem_shared>>
        tpu.wait_dma2 semaphore(%run_scoped3A : memref<!tpu.dma_semaphore, #tpu.memory_space<semaphore_mem>>) src(%dma_wait3A_274 : memref<640x128xf32, #tpu.memory_space<vmem_shared>>) dst(%dma_wait3A_272 : memref<640x128xf32, #tpu.memory_space<hbm>>)
        tpu.yield
      }) : () -> ()
      "tpu.region"() ({
        %run_scoped3A = tpu.sem_alloc : memref<!tpu.dma_semaphore, #tpu.memory_space<semaphore_mem>>
        %dma_start3A_267 = arith.constant 0 : i32
        %dma_start3A_268 = tpu.memref_slice %arg8[%mul3A_2, %dma_start3A_267] : memref<10240x16xf32, #tpu.memory_space<hbm>> -> memref<640x16xf32, #tpu.memory_space<hbm>>
        %dma_start3A_269 = arith.constant 0 : i32
        %dma_start3A_270 = tpu.memref_slice %arg21[%mul3A_2, %dma_start3A_269] : memref<10240x16xf32, #tpu.memory_space<vmem_shared>> -> memref<640x16xf32, #tpu.memory_space<vmem_shared>>
        tpu.enqueue_dma source(%dma_start3A_270 : memref<640x16xf32, #tpu.memory_space<vmem_shared>>) target(%dma_start3A_268 : memref<640x16xf32, #tpu.memory_space<hbm>>) target_semaphore(%run_scoped3A : memref<!tpu.dma_semaphore, #tpu.memory_space<semaphore_mem>>)
        %dma_wait3A_271 = arith.constant 0 : i32
        %dma_wait3A_272 = tpu.memref_slice %arg8[%mul3A_2, %dma_wait3A_271] : memref<10240x16xf32, #tpu.memory_space<hbm>> -> memref<640x16xf32, #tpu.memory_space<hbm>>
        %dma_wait3A_273 = arith.constant 0 : i32
        %dma_wait3A_274 = tpu.memref_slice %arg21[%mul3A_2, %dma_wait3A_273] : memref<10240x16xf32, #tpu.memory_space<vmem_shared>> -> memref<640x16xf32, #tpu.memory_space<vmem_shared>>
        tpu.wait_dma2 semaphore(%run_scoped3A : memref<!tpu.dma_semaphore, #tpu.memory_space<semaphore_mem>>) src(%dma_wait3A_274 : memref<640x16xf32, #tpu.memory_space<vmem_shared>>) dst(%dma_wait3A_272 : memref<640x16xf32, #tpu.memory_space<hbm>>)
        tpu.yield
      }) : () -> ()
    } else {
    }
    %eq3A_262 = arith.constant 1 : i32
    %eq3A_263 = arith.cmpi eq, %arg0, %eq3A_262 : i32
    %convert_element_type3A_264 = arith.extui %eq3A_263 : i1 to i32
    %cond3A_265 = arith.constant 0 : i32
    %cond3A_266 = arith.cmpi ne, %convert_element_type3A_264, %cond3A_265 : i32
    scf.if %cond3A_266 {
      "tpu.region"() ({
        %run_scoped3A = tpu.sem_alloc : memref<!tpu.dma_semaphore, #tpu.memory_space<semaphore_mem>>
        %dma_start3A_267 = arith.constant 0 : i32
        %dma_start3A_268 = tpu.memref_slice %arg7[%mul3A_2, %dma_start3A_267] : memref<10240x128xf32, #tpu.memory_space<hbm>> -> memref<640x128xf32, #tpu.memory_space<hbm>>
        %dma_start3A_269 = arith.constant 0 : i32
        %dma_start3A_270 = tpu.memref_slice %arg20[%mul3A_2, %dma_start3A_269] : memref<10240x128xf32, #tpu.memory_space<vmem_shared>> -> memref<640x128xf32, #tpu.memory_space<vmem_shared>>
        tpu.enqueue_dma source(%dma_start3A_270 : memref<640x128xf32, #tpu.memory_space<vmem_shared>>) target(%dma_start3A_268 : memref<640x128xf32, #tpu.memory_space<hbm>>) target_semaphore(%run_scoped3A : memref<!tpu.dma_semaphore, #tpu.memory_space<semaphore_mem>>)
        %dma_wait3A_271 = arith.constant 0 : i32
        %dma_wait3A_272 = tpu.memref_slice %arg7[%mul3A_2, %dma_wait3A_271] : memref<10240x128xf32, #tpu.memory_space<hbm>> -> memref<640x128xf32, #tpu.memory_space<hbm>>
        %dma_wait3A_273 = arith.constant 0 : i32
        %dma_wait3A_274 = tpu.memref_slice %arg20[%mul3A_2, %dma_wait3A_273] : memref<10240x128xf32, #tpu.memory_space<vmem_shared>> -> memref<640x128xf32, #tpu.memory_space<vmem_shared>>
        tpu.wait_dma2 semaphore(%run_scoped3A : memref<!tpu.dma_semaphore, #tpu.memory_space<semaphore_mem>>) src(%dma_wait3A_274 : memref<640x128xf32, #tpu.memory_space<vmem_shared>>) dst(%dma_wait3A_272 : memref<640x128xf32, #tpu.memory_space<hbm>>)
        tpu.yield
      }) : () -> ()
      "tpu.region"() ({
        %run_scoped3A = tpu.sem_alloc : memref<!tpu.dma_semaphore, #tpu.memory_space<semaphore_mem>>
        %dma_start3A_267 = arith.constant 0 : i32
        %dma_start3A_268 = tpu.memref_slice %arg9[%mul3A_2, %dma_start3A_267] : memref<10240x16xf32, #tpu.memory_space<hbm>> -> memref<640x16xf32, #tpu.memory_space<hbm>>
        %dma_start3A_269 = arith.constant 0 : i32
        %dma_start3A_270 = tpu.memref_slice %arg21[%mul3A_2, %dma_start3A_269] : memref<10240x16xf32, #tpu.memory_space<vmem_shared>> -> memref<640x16xf32, #tpu.memory_space<vmem_shared>>
        tpu.enqueue_dma source(%dma_start3A_270 : memref<640x16xf32, #tpu.memory_space<vmem_shared>>) target(%dma_start3A_268 : memref<640x16xf32, #tpu.memory_space<hbm>>) target_semaphore(%run_scoped3A : memref<!tpu.dma_semaphore, #tpu.memory_space<semaphore_mem>>)
        %dma_wait3A_271 = arith.constant 0 : i32
        %dma_wait3A_272 = tpu.memref_slice %arg9[%mul3A_2, %dma_wait3A_271] : memref<10240x16xf32, #tpu.memory_space<hbm>> -> memref<640x16xf32, #tpu.memory_space<hbm>>
        %dma_wait3A_273 = arith.constant 0 : i32
        %dma_wait3A_274 = tpu.memref_slice %arg21[%mul3A_2, %dma_wait3A_273] : memref<10240x16xf32, #tpu.memory_space<vmem_shared>> -> memref<640x16xf32, #tpu.memory_space<vmem_shared>>
        tpu.wait_dma2 semaphore(%run_scoped3A : memref<!tpu.dma_semaphore, #tpu.memory_space<semaphore_mem>>) src(%dma_wait3A_274 : memref<640x16xf32, #tpu.memory_space<vmem_shared>>) dst(%dma_wait3A_272 : memref<640x16xf32, #tpu.memory_space<hbm>>)
        tpu.yield
      }) : () -> ()
    } else {
    }
    return
  }
}

module attributes {stable_mosaic.version = 14 : i64} {
  func.func @body(%arg0: i32, %arg1: memref<2000x128xf32, #tpu.memory_space<vmem>>, %arg2: memref<2000x128xf32, #tpu.memory_space<vmem>>, %arg3: memref<2000x128xf32, #tpu.memory_space<vmem>>, %arg4: memref<2000x16xf32, #tpu.memory_space<vmem>>, %arg5: memref<2000x16xf32, #tpu.memory_space<vmem>>, %arg6: memref<128x128xf32, #tpu.memory_space<vmem>>, %arg7: memref<128x128xf32, #tpu.memory_space<vmem>>, %arg8: memref<1x128xf32, #tpu.memory_space<vmem>>, %arg9: memref<2000x128xf32, #tpu.memory_space<vmem>>) attributes {dimension_semantics = [#tpu.dimension_semantics<arbitrary>], iteration_bounds = array<i64: 5>, scalar_prefetch = 0 : i64, scratch_operands = 0 : i64, tpu.core_type = #tpu.core_type<tc>, window_params = [{transform_indices = @transform_0, window_bounds = array<i64: 2000, 128>}, {transform_indices = @transform_1, window_bounds = array<i64: 2000, 128>}, {transform_indices = @transform_2, window_bounds = array<i64: 2000, 128>}, {transform_indices = @transform_3, window_bounds = array<i64: 2000, 16>}, {transform_indices = @transform_4, window_bounds = array<i64: 2000, 16>}, {pipeline_mode = #tpu.pipeline_mode<synchronous>, transform_indices = @transform_5, window_bounds = array<i64: 128, 128>}, {pipeline_mode = #tpu.pipeline_mode<synchronous>, transform_indices = @transform_6, window_bounds = array<i64: 128, 128>}, {pipeline_mode = #tpu.pipeline_mode<synchronous>, transform_indices = @transform_7, window_bounds = array<i64: 1, 128>}, {transform_indices = @transform_8, window_bounds = array<i64: 2000, 128>}]} {
    %get3A = arith.constant 0 : index
    %get3A_0 = arith.constant 0 : index
    %get3A_1 = vector.load %arg2[%get3A, %get3A_0] : memref<2000x128xf32, #tpu.memory_space<vmem>>, vector<2000x128xf32>
    %get3A_2 = arith.constant 0 : index
    %get3A_3 = arith.constant 0 : index
    %get3A_4 = vector.load %arg3[%get3A_2, %get3A_3] : memref<2000x128xf32, #tpu.memory_space<vmem>>, vector<2000x128xf32>
    %add3A = arith.addf %get3A_1, %get3A_4 : vector<2000x128xf32>
    %get3A_5 = arith.constant 0 : index
    %get3A_6 = arith.constant 0 : index
    %get3A_7 = vector.load %arg4[%get3A_5, %get3A_6] : memref<2000x16xf32, #tpu.memory_space<vmem>>, vector<2000x1xf32>
    %get3A_8 = arith.constant 0 : index
    %get3A_9 = arith.constant 0 : index
    %get3A_10 = vector.load %arg5[%get3A_8, %get3A_9] : memref<2000x16xf32, #tpu.memory_space<vmem>>, vector<2000x1xf32>
    %add3A_11 = arith.addf %get3A_7, %get3A_10 : vector<2000x1xf32>
    %max3A = arith.constant 1.000000e+00 : f32
    %max3A_12 = vector.broadcast %max3A : f32 to vector<2000x1xf32>
    %max3A_13 = arith.maximumf %add3A_11, %max3A_12 : vector<2000x1xf32>
    %div3A = arith.constant 1.000000e+00 : f32
    %div3A_14 = vector.broadcast %div3A : f32 to vector<2000x1xf32>
    %div3A_15 = arith.divf %div3A_14, %max3A_13 : vector<2000x1xf32>
    %mul3A = vector.broadcast %div3A_15 : vector<2000x1xf32> to vector<2000x128xf32>
    %mul3A_16 = arith.mulf %add3A, %mul3A : vector<2000x128xf32>
    %get3A_17 = arith.constant 0 : index
    %get3A_18 = arith.constant 0 : index
    %get3A_19 = vector.load %arg1[%get3A_17, %get3A_18] : memref<2000x128xf32, #tpu.memory_space<vmem>>, vector<2000x128xf32>
    %get3A_20 = arith.constant 0 : index
    %get3A_21 = arith.constant 0 : index
    %get3A_22 = vector.load %arg6[%get3A_20, %get3A_21] : memref<128x128xf32, #tpu.memory_space<vmem>>, vector<128x128xf32>
    %dot_general3A = arith.constant dense<0.000000e+00> : vector<2000x128xf32>
    %dot_general3A_23 = tpu.matmul %get3A_19, %get3A_22, %dot_general3A {dimension_numbers = #tpu.dot_dimension_numbers<[1], [0], [0], [1], [0, 0, 1, 1], [], []>, transpose_lhs_hint = false} : vector<2000x128xf32>, vector<128x128xf32>, vector<2000x128xf32> -> vector<2000x128xf32>
    %get3A_24 = arith.constant 0 : index
    %get3A_25 = arith.constant 0 : index
    %get3A_26 = vector.load %arg7[%get3A_24, %get3A_25] : memref<128x128xf32, #tpu.memory_space<vmem>>, vector<128x128xf32>
    %dot_general3A_27 = arith.constant dense<0.000000e+00> : vector<2000x128xf32>
    %dot_general3A_28 = tpu.matmul %mul3A_16, %get3A_26, %dot_general3A_27 {dimension_numbers = #tpu.dot_dimension_numbers<[1], [0], [0], [1], [0, 0, 1, 1], [], []>, transpose_lhs_hint = false} : vector<2000x128xf32>, vector<128x128xf32>, vector<2000x128xf32> -> vector<2000x128xf32>
    %add3A_29 = arith.addf %dot_general3A_23, %dot_general3A_28 : vector<2000x128xf32>
    %get3A_30 = arith.constant 0 : index
    %get3A_31 = arith.constant 0 : index
    %get3A_32 = vector.load %arg8[%get3A_30, %get3A_31] : memref<1x128xf32, #tpu.memory_space<vmem>>, vector<1x128xf32>
    %add3A_33 = vector.broadcast %get3A_32 : vector<1x128xf32> to vector<2000x128xf32>
    %add3A_34 = arith.addf %add3A_29, %add3A_33 : vector<2000x128xf32>
    %swap3A = arith.constant 0 : index
    %swap3A_35 = arith.constant 0 : index
    %swap3A_36 = vector.load %arg9[%swap3A, %swap3A_35] : memref<2000x128xf32, #tpu.memory_space<vmem>>, vector<2000x128xf32>
    tpu.vector_store %arg9[%swap3A, %swap3A_35], %add3A_34 {strides = array<i32>} : memref<2000x128xf32, #tpu.memory_space<vmem>>, vector<2000x128xf32>,
    return
  }
  func.func @transform_0(%arg0: i32) -> (i32, i32) {
    %c0_i32 = arith.constant 0 : i32
    %c0_i32_0 = arith.constant 0 : i32
    return %arg0, %c0_i32 : i32, i32
  }
  func.func @transform_1(%arg0: i32) -> (i32, i32) {
    %c0_i32 = arith.constant 0 : i32
    %c0_i32_0 = arith.constant 0 : i32
    return %arg0, %c0_i32 : i32, i32
  }
  func.func @transform_2(%arg0: i32) -> (i32, i32) {
    %c0_i32 = arith.constant 0 : i32
    %c0_i32_0 = arith.constant 0 : i32
    return %arg0, %c0_i32 : i32, i32
  }
  func.func @transform_3(%arg0: i32) -> (i32, i32) {
    %c0_i32 = arith.constant 0 : i32
    %c0_i32_0 = arith.constant 0 : i32
    return %arg0, %c0_i32 : i32, i32
  }
  func.func @transform_4(%arg0: i32) -> (i32, i32) {
    %c0_i32 = arith.constant 0 : i32
    %c0_i32_0 = arith.constant 0 : i32
    return %arg0, %c0_i32 : i32, i32
  }
  func.func @transform_5(%arg0: i32) -> (i32, i32) {
    %c0_i32 = arith.constant 0 : i32
    %c0_i32_0 = arith.constant 0 : i32
    %c0_i32_1 = arith.constant 0 : i32
    return %c0_i32, %c0_i32_0 : i32, i32
  }
  func.func @transform_6(%arg0: i32) -> (i32, i32) {
    %c0_i32 = arith.constant 0 : i32
    %c0_i32_0 = arith.constant 0 : i32
    %c0_i32_1 = arith.constant 0 : i32
    return %c0_i32, %c0_i32_0 : i32, i32
  }
  func.func @transform_7(%arg0: i32) -> (i32, i32) {
    %c0_i32 = arith.constant 0 : i32
    %c0_i32_0 = arith.constant 0 : i32
    %c0_i32_1 = arith.constant 0 : i32
    return %c0_i32, %c0_i32_0 : i32, i32
  }
  func.func @transform_8(%arg0: i32) -> (i32, i32) {
    %c0_i32 = arith.constant 0 : i32
    %c0_i32_0 = arith.constant 0 : i32
    return %arg0, %c0_i32 : i32, i32
  }
}

</mosaic_0001>

<sc_bundles>
// kernel: rgcn_sc_aggregate.3.cloned.1.call-start
scs
__scs_entry_jumppad:
0x0: {  	(pc) =	sbr.rel $0x88, $3  }
0x1: {  	(tag) =	ssettag $0x0;
	lr =	simm.s32 $0x1  }
0x2: {  	[smem:$0x3F9C] =	sst lr;
	_ =	strace $0xD0000000  }
0x3: {  	_ = 	snop  }
0x4: {  	_ = 	snop  }
0x5: {  	_ = 	snop  }
0x6: {  	_ = 	snop  }
0x7: {  	_ = 	snop  }
__scs_overlays_trampoline_lowered:
0x8: {  	[smem:$0x3FAB] =	sst s0  }
0x9: {  	[smem:$0x3FAC] =	sst s1  }
0xa: {  	[smem:$0x3FAD] =	sst s2  }
0xb: {  	[smem:$0x3FAE] =	sst s3  }
0xc: {  	[smem:$0x3FAF] =	sst s4  }
0xd: {  	[smem:$0x3FB0] =	sst s5  }
0xe: {  	[smem:$0x3FB1] =	sst s6  }
0xf: {  	[smem:$0x3FB2] =	sst s7  }
0x10: {  	[smem:$0x3FB3] =	sst s8  }
0x11: {  	[smem:$0x3FB4] =	sst s9;
	s0 =	simm.s32 @!p0 $0x0  }
0x12: {  	s1 =	sld [smem:$0x3F9A];
	s0 =	simm.s32 @p0 $0x1  }
0x13: {  	[smem:$0x3FB5] =	sst s0;
	s0 =	simm.s32 @!p1 $0x0  }
0x14: {  	s2 =	sld [smem:$0x3F99];
	s0 =	simm.s32 @p1 $0x1  }
0x15: {  	[smem:$0x3FB6] =	sst s0;
	s0 =	simm.s32 @!p2 $0x0  }
0x16: {  	s3 =	sld [smem:$0x3FDB];
	s0 =	simm.s32 @p2 $0x1  }
0x17: {  	s4 =	simm.s32 $0x1BF5;
	[smem:$0x3FB8] =	sst s0  }
0x18: {  	s0 =	sld [smem:$0x3F9B];
	_ =	swait.ge [sflag:s4], $0x0  }
0x19: {  	s7 =	sld [smem:$0x3F9C]  }
0x1a: {  	s8 =	sadd.s32 $0xFFFFE003, lr  }
0x1b: {  	s9 =	sadd.s32 $0xFFFFFEF7, lr;
	s5 =	simm.s32 $0xFFFFFFFF;
	p2 =	slt.u32 s8, $0xFFFFF086  }
0x1c: {  	p1 =	slt.u32 s9, $0xF7A;
	s5 =	simm.s32 @!p2 $0x0  }
0x1d: {  	s5 =	simm.s32 @p1 $0x1;
	p0 =	seq.s32 s7, s2  }
0x1e: {  	s7 =	smul.u32 @!p0 $0xF7A, s2;
	p2 =	seq.s32 @!p0 s5, $0x0  }
0x1f: {  	s9 =	smul.u32 $0xF7A, s1;
	s8 =	simm.s32 @!p0 $0x1BF5;
	p2 =	por !p2, p0  }
0x20: {  	[sflag:s8] =	ssyncset.s32 @!p0 $0xFFFFF086;
	s6 =	sadd.s32 @!p0 s3, s7;
	s7 =	simm.s32 @!p0 $0x108  }
0x21: {  	s3 =	sadd.s32 s3, s9;
	s6 =	sadd.s32 @!p0 $0x88, s6;
	s7 =	simm.s32 @p2 $0x1082  }
0x22: {  	[simem:s7], [sflag:s8] =	dma.local @!p0 [hbm:s6], $0xF7A  }
0x23: {  	s9 =	sor.u32 $0xD0000000, s2;
	s6 =	simm.s32 $0x108;
	_ =	swait.ge @!p0 [sflag:s8], $0x0  }
0x24: {  	s3 =	sadd.s32 $0x88, s3;
	s6 =	simm.s32 @!p1 $0x1082;
	[sflag:s4] =	ssyncset.s32 $0xFFFFF086  }
0x25: {  	[simem:s6], [sflag:s4] =	dma.local [hbm:s3], $0xF7A  }
0x26: {  	[smem:$0x3F9C] =	sst s1;
	(tag) =	ssettag s2;
	_ =	strace s9  }
0x27: {  	s1 =	sld [smem:$0x3FAC]  }
0x28: {  	s2 =	sld [smem:$0x3FAD]  }
0x29: {  	s4 =	sld [smem:$0x3FAF]  }
0x2a: {  	p0 =	seq.s32 s5, $0x0;
	s5 =	sld [smem:$0x3FB0]  }
0x2b: {  	s6 =	sld [smem:$0x3FB1]  }
0x2c: {  	s7 =	sld [smem:$0x3FB2]  }
0x2d: {  	s3 =	simm.s32 $0x108;
	s8 =	sld [smem:$0x3FB3]  }
0x2e: {  	s3 =	simm.s32 @!p0 $0x1082;
	s9 =	sld [smem:$0x3FB4]  }
0x2f: {  	lr =	sadd.s32 s0, s3;
	s0 =	sld [smem:$0x3FAB]  }
0x30: {  	s3 =	sld [smem:$0x3FAE]  }
0x31: {  	[smem:$0x3FB7] =	sst s10  }
0x32: {  	s10 =	sld [smem:$0x3FB5];
	_ =	sdelay $0x3  }
0x33: {  	p0 =	seq.s32 s10, $0x1;
	s10 =	sld [smem:$0x3FB7];
	_ =	sdelay $0x3  }
0x34: {  	[smem:$0x3FB7] =	sst s10  }
0x35: {  	s10 =	sld [smem:$0x3FB6];
	_ =	sdelay $0x3  }
0x36: {  	p1 =	seq.s32 s10, $0x1;
	s10 =	sld [smem:$0x3FB7];
	_ =	sdelay $0x3  }
0x37: {  	[smem:$0x3FB7] =	sst s10  }
0x38: {  	s10 =	sld [smem:$0x3FB8]  }
0x39: {  	_ = 	snop;
	(pc) =	sbr.ind lr, $3  }
0x3a: {  	_ = 	snop  }
0x3b: {  	_ = 	snop  }
0x3c: {  	p2 =	seq.s32 s10, $0x1;
	s10 =	sld [smem:$0x3FB7]  }
0x3d: {  	_ =	shalt  }
0x3e: {  	_ =	shalt  }
0x3f: {  	_ =	shalt  }
0x40: {  	_ =	shalt  }
0x41: {  	_ =	shalt  }
0x42: {  	_ =	shalt  }
0x43: {  	_ =	shalt  }
0x44: {  	_ =	shalt  }
0x45: {  	_ =	shalt  }
0x46: {  	_ =	shalt  }
0x47: {  	_ =	shalt  }
0x48: {  	_ =	shalt  }
0x49: {  	_ =	shalt  }
0x4a: {  	_ =	shalt  }
0x4b: {  	_ =	shalt  }
0x4c: {  	_ =	shalt  }
0x4d: {  	_ =	shalt  }
0x4e: {  	_ =	shalt  }
0x4f: {  	_ =	shalt  }
0x50: {  	_ =	shalt  }
0x51: {  	_ =	shalt  }
0x52: {  	_ =	shalt  }
0x53: {  	_ =	shalt  }
0x54: {  	_ =	shalt  }
0x55: {  	_ =	shalt  }
0x56: {  	_ =	shalt  }
0x57: {  	_ =	shalt  }
0x58: {  	_ =	shalt  }
0x59: {  	_ =	shalt  }
0x5a: {  	_ =	shalt  }
0x5b: {  	_ =	shalt  }
0x5c: {  	_ =	shalt  }
0x5d: {  	_ =	shalt  }
0x5e: {  	_ =	shalt  }
0x5f: {  	_ =	shalt  }
0x60: {  	_ =	shalt  }
0x61: {  	_ =	shalt  }
0x62: {  	_ =	shalt  }
0x63: {  	_ =	shalt  }
0x64: {  	_ =	shalt  }
0x65: {  	_ =	shalt  }
0x66: {  	_ =	shalt  }
0x67: {  	_ =	shalt  }
0x68: {  	_ =	shalt  }
0x69: {  	_ =	shalt  }
0x6a: {  	_ =	shalt  }
0x6b: {  	_ =	shalt  }
0x6c: {  	_ =	shalt  }
0x6d: {  	_ =	shalt  }
0x6e: {  	_ =	shalt  }
0x6f: {  	_ =	shalt  }
0x70: {  	_ =	shalt  }
0x71: {  	_ =	shalt  }
0x72: {  	_ =	shalt  }
0x73: {  	_ =	shalt  }
0x74: {  	_ =	shalt  }
0x75: {  	_ =	shalt  }
0x76: {  	_ =	shalt  }
0x77: {  	_ =	shalt  }
0x78: {  	_ =	shalt  }
0x79: {  	_ =	shalt  }
0x7a: {  	_ =	shalt  }
0x7b: {  	_ =	shalt  }
0x7c: {  	_ =	shalt  }
0x7d: {  	_ =	shalt  }
0x7e: {  	_ =	shalt  }
0x7f: {  	_ =	shalt  }
0x80: {  	_ =	shalt  }
0x81: {  	_ =	shalt  }
0x82: {  	_ =	shalt  }
0x83: {  	_ =	shalt  }
0x84: {  	_ =	shalt  }
0x85: {  	_ =	shalt  }
0x86: {  	_ =	shalt  }
0x87: {  	_ =	shalt  }
.Lfunc_end0:
.L_simem_size_0:
called_computation_lowered:
.L_overlay_start_0:
0x88: {  	s2 =	sld [smem:$0x3FD9]  }
0x89: {  	s3 =	sld [smem:$0x3FFE];
	_ =	sdelay $0x1  }
0x8a: {  	s1 =	srdreg.scid  }
0x8b: {  	s0 =	sand.u32 $0x1, s1  }
0x8c: {  	s17 =	sshll.u32 s0, $0xA;
	s2 =	sadd.s32 s3, s2  }
0x8d: {  	s2 =	sadd.s32 s2, s17  }
0x8e: {  	[smem:$0x3FC3] =	sst s2  }
0x8f: {  	_ = 	snop  }
0x90: {  	s2 =	sld [smem:$0x3FC9]  }
0x91: {  	s18 =	sld [smem:$0x3FD0];
	(tm) =	ssettm $0x1  }
0x92: {  	s4 =	sld [smem:$0x3FFB];
	_ =	sdelay $0x3  }
0x93: {  	_ =	strace s4  }
0x94: {  	s4 =	sld [smem:$0x3FFC];
	_ =	sdelay $0x3  }
0x95: {  	_ =	strace s4  }
0x96: {  	s4 =	sld [smem:$0x3FFD];
	_ =	sdelay $0x3  }
0x97: {  	_ =	strace s4  }
0x98: {  	_ =	strace $0x8FFFFFFF  }
0x99: {  	s19 =	sld [smem:$0x3FDB];
	_ =	sdelay $0x1  }
0x9a: {  	s5 =	simm.s32 $_scs_section_size  }
0x9b: {  	s6 =	simm.s32 $_size__tile_overlayer_lowered;
	s7 =	simm.s32 $_tile_overlayer_lowered  }
0x9c: {  	s22 =	simm.s32 $0x1BFF;
	s21 =	sshll.u32 s7, $0x1;
	s4 =	sadd.s32 s5, s19  }
0x9d: {  	s8 =	simm.s32 $0x0;
	s20 =	sshll.u32 s6, $0x1;
	s6 =	sadd.s32 s21, s4  }
0x9e: {  	[timem:s8], [sflag:s22] =	dma.local [hbm:s6], s20  }
0x9f: {  	_ =	swait.ge [sflag:s22], s20  }
0xa0: {  	s5 =	ssub.s32 $0x0, s20;
	[sflag:s22] =	ssyncset.done $0x0  }
0xa1: {  	[sflag:s22] =	ssyncadd.s32 s5;
	_ =	sdelay $0x1  }
0xa2: {  	s23 =	simm.s32 $0x1B8B  }
0xa3: {  	_ =	swait.ge [sflag:s23], $0x1  }
0xa4: {  	[sflag:s23] =	ssyncset.done $0x0  }
0xa5: {  	s25 =	simm.s32 $0x1B8E;
	s24 =	sld [smem:$0x3FFE];
	[sflag:s23] =	ssyncadd.s32 $0xFFFFFFFF  }
0xa6: {  	s26 =	simm.s32 $execute0_lowered;
	[smem:$0x3FD2] =	sst s25  }
0xa7: {  	s6 =	sshll.u32 s26, $0x1;
	_ =	strace $0x80000046;
	[dreg:$0x1] =	wrdreg $0xFFFFFFFF  }
0xa8: {  	s28 =	simm.s32 $_size_execute0_lowered;
	s4 =	sadd.s32 s4, s6;
	[dreg:$0x0] =	wrdreg $0x0  }
0xa9: {  	s6 =	sshll.u32 s28, $0x1;
	[dreg:$0x2] =	wrdreg s4  }
0xaa: {  	[dreg:$0x3] =	wrdreg s6  }
0xab: {  	[dreg:$0x4] =	wrdreg $0xC0  }
0xac: {  	_ =	task [dreg:s8], $0x5FFFF  }
0xad: {  	[dreg:$0x1] =	wrdreg $0xFFFFFFFF  }
0xae: {  	[dreg:$0x0] =	wrdreg $0x60  }
0xaf: {  	[dreg:$0x2] =	wrdreg s2  }
0xb0: {  	[dreg:$0x3] =	wrdreg s18  }
0xb1: {  	[dreg:$0x4] =	wrdreg s24  }
0xb2: {  	[dreg:$0x5] =	wrdreg $0x7EE00  }
0xb3: {  	[dreg:$0x6] =	wrdreg $0x1BEE00  }
0xb4: {  	[dreg:$0x7] =	wrdreg $0x9  }
0xb5: {  	_ =	task.clear_ibuf [dreg:s8], $0x8FFFF;
	_ =	strace $0x90000046  }
0xb6: {  	s29 =	simm.s32 $0x9;
	_ =	strace $0x80000048  }
0xb7: {  	_ =	swait.ge [sflag:s29], $0x1  }
0xb8: {  	[sflag:s29] =	ssyncadd.s32 $0xFFFFFFFF  }
0xb9: {  	_ =	strace $0x90000048  }
0xba: {  	_ =	sfence  }
0xbb: {  	s30 =	sld [smem:$0x0];
	_ =	sdelay $0x2  }
0xbc: {  	s31 =	sshll.u32 s1, $0xD;
	s1 =	sshrl.u32 s1, $0x2  }
0xbd: {  	s3 =	sand.u32 $0x4000, s31;
	s1 =	sadd.s32 s1, s30  }
0xbe: {  	s0 =	sor.u32 s3, s0;
	s1 =	sshll.u32 s1, $0x11  }
0xbf: {  	s0 =	sor.u32 s1, s0  }
0xc0: {  	s0 =	sadd.s32 $0x8F2B, s0  }
0xc1: {  	[sflag:s0] =	ssyncadd.remote.s32 $0x1  }
0xc2: {  	_ =	sfence.sel $0xFFFF  }
0xc3: {  	[dreg:$0x0] =	wrdreg $0xFFFFFFFF;
	(pc) =	sbr.abs _section_cstart, $3  }
0xc4: {  	[dreg:$0x1] =	wrdreg $0xFFFFFFFF  }
0xc5: {  	_ =	task.clear_ibuf [dreg:s8], $0x2FFFF;
	_ =	strace $0x9FFFFFFF  }
0xc6: {  	(tm) =	ssettm $0x7FFFFFFF  }
0xc7: {  	_ =	shalt  }
tec
execute0_lowered:
.L_overlay_start_1:
0x0: {  	(tag) =	ssettag $0x1  }
0x1: {  	s1 =	rddreg [dreg:$0x0]  }
0x2: {  	s2 =	rddreg [dreg:$0x1]  }
0x3: {  	s0 =	rddreg [dreg:$0x2]  }
0x4: {  	s4 =	rddreg [dreg:$0x3]  }
0x5: {  	s5 =	rddreg [dreg:$0x4]  }
0x6: {  	s19 =	stileid.u32;
	s3 =	srdreg.scid  }
0x7: {  	s6 =	simm.s32 $0x0;
	s28 =	simm.s32 $0x140;
	s29 =	simm.s32 $0xA0  }
0x8: {  	s30 =	simm.s32 $0x190;
	s31 =	simm.s32 $0x4;
	s7 =	smul.u32 $0x14000, s19  }
0x9: {  	s3 =	sand.u32 $0x1, s3;
	[smem:$0x7FF] =	sst s6;
	s8 =	smul.u32 $0x2800, s19  }
0xa: {  	s14 =	sadd.s32 $0x38C00, s0;
	s15 =	sadd.s32 $0x60C00, s0;
	s16 =	sadd.s32 $0x2EC00, s0  }
0xb: {  	s9 =	sshll.u32 s3, $0x4;
	_ =	strace $0x80000047;
	s17 =	ssub.s32 $0x2, s3  }
0xc: {  	s25 =	smul.u32 $0x27100, s3;
	p0 =	seq.s32 s3, $0x1;
	s10 =	sshrl.u32 s7, $0x3  }
0xd: {  	s9 =	sor.u32 s19, s9;
	s12 =	sshrl.u32 s8, $0x3;
	s18 =	sshrl.u32 s17, $0x1  }
0xe: {  	s19 =	smul.u32 $0x2710, s19;
	s7 =	sadd.s32 s7, s4;
	s14 =	smov.u32 @p0 s15  }
0xf: {  	s11 =	sadd.s32 s10, s0;
	s9 =	smul.u32 $0x2710, s9;
	s13 =	sadd.s32 s12, s0  }
0x10: {  	s0 =	sadd.s32 $0x33C00, s0;
	[dreg:$0x11] =	wrdreg s7;
	s3 =	sadd.s32 s19, s25  }
0x11: {  	s25 =	sadd.s32 s14, s10;
	s16 =	smov.u32 @p0 s0;
	s9 =	sshrl.u32 s9, $0x3  }
0x12: {  	[dreg:$0x16] =	wrdreg s25;
	s14 =	sadd.s32 $0x4E390, s3;
	s20 =	sadd.s32 s2, s9  }
0x13: {  	s9 =	ssub.s32 s17, s18;
	s21 =	sadd.s32 $0x9C40, s20;
	[dreg:$0xb] =	wrdreg s20  }
0x14: {  	s15 =	sshrl.u32 s14, $0x3;
	s22 =	sadd.s32 $0xA, s20;
	[dreg:$0xc] =	wrdreg s21  }
0x15: {  	s17 =	sadd.s32 $0x4E340, s3;
	s23 =	sadd.s32 $0x9C4A, s20;
	[dreg:$0xd] =	wrdreg s22  }
0x16: {  	s14 =	simm.s32 $0x79E0;
	s24 =	sadd.s32 $0x14, s20;
	[dreg:$0xe] =	wrdreg s23  }
0x17: {  	s26 =	sadd.s32 $0x9C54, s20;
	s10 =	sadd.s32 $0xA10E, s20;
	[dreg:$0xf] =	wrdreg s24  }
0x18: {  	s19 =	sshrl.u32 s17, $0x3;
	s25 =	sadd.s32 $0xA118, s20;
	[dreg:$0x10] =	wrdreg s26  }
0x19: {  	s17 =	simm.s32 $0x2;
	s21 =	sadd.s32 $0x6C00, s11;
	[dreg:$0x17] =	wrdreg s10  }
0x1a: {  	s22 =	sadd.s32 s8, s5;
	s23 =	sadd.s32 $0x1C00, s13;
	[dreg:$0x1a] =	wrdreg s25  }
0x1b: {  	s24 =	sadd.s32 $0x4CE, s20;
	s26 =	sadd.s32 $0x190, s3;
	[dreg:$0x12] =	wrdreg s21  }
0x1c: {  	s13 =	sadd.s32 s16, s12;
	s16 =	sadd.s32 $0x140, s3;
	[dreg:$0x13] =	wrdreg s22  }
0x1d: {  	s25 =	simm.s32 $0xF0;
	s8 =	simm.s32 $0x29E0;
	[dreg:$0x14] =	wrdreg s23  }
0x1e: {  	s10 =	simm.s32 $0x51E0;
	s12 =	simm.s32 $0x1;
	[dreg:$0x15] =	wrdreg s24  }
0x1f: {  	s11 =	sshrl.u32 s26, $0x3;
	[dreg:$0x18] =	wrdreg s13;
	s7 =	sshrl.u32 s16, $0x3  }
0x20: {  	s21 =	sadd.s32 s19, s2;
	s22 =	sadd.s32 $0x4E2F0, s3;
	s23 =	sadd.s32 $0x4D8, s20  }
0x21: {  	s26 =	smax.u32 s9, $0x1;
	s3 =	sadd.s32 $0xF0, s3;
	s9 =	simm.s32 $0x6  }
0x22: {  	s13 =	simm.s32 $0x7;
	s16 =	simm.s32 $0xB;
	[dreg:$0x19] =	wrdreg s23  }
0x23: {  	s19 =	simm.s32 $0x3;
	s20 =	simm.s32 $0x9;
	[dreg:$0x9] =	wrdreg s21  }
0x24: {  	s0 =	sadd.s32 s11, s2;
	s18 =	sadd.s32 s7, s2;
	[dreg:$0x1b] =	wrdreg s26  }
0x25: {  	s24 =	sshrl.u32 s22, $0x3;
	[dreg:$0x1c] =	wrdreg s3;
	s26 =	simm.s32 $0x50  }
0x26: {  	s3 =	simm.s32 $0x5;
	s11 =	simm.s32 $0xC;
	[dreg:$0x6] =	wrdreg s0  }
0x27: {  	s21 =	simm.s32 $0x0;
	s0 =	sadd.s32 s15, s2;
	[dreg:$0x8] =	wrdreg s18  }
0x28: {  	s15 =	simm.s32 $0xA;
	[dreg:$0x7] =	wrdreg s0;
	s0 =	sadd.s32 s24, s2  }
0x29: {  	v0 =	vimm.f32 $1.000000000e+00;
	s18 =	simm.s32 $0x8;
	[dreg:$0xa] =	wrdreg s0;
	s0 =	simm.s32 $0x1E0  }
.LBB2_1:
0x2a: {  	s7 =	rddreg [dreg:$0xb]  }
0x2b: {  	[tilespmem:s6], [sflag:$0x4] =	stream.linear.gather [hbm4b:s7+s6], $0x50, $0x38;
	[tilespmem:$0x1E6E0] =	vst v63  }
0x2c: {  	s23 =	rddreg [dreg:$0xc]  }
0x2d: {  	[tilespmem:s25], [sflag:$0x7] =	stream.linear.gather [hbm4b:s23+s6], $0x50, $0x38;
	[tilespmem:$0x1E6E0] =	vst v63  }
0x2e: {  	s24 =	rddreg [dreg:$0xd]  }
0x2f: {  	[tilespmem:s26], [sflag:$0x5] =	stream.linear.gather [hbm4b:s24+s6], $0x50, $0x38;
	[tilespmem:$0x1E6E0] =	vst v63  }
0x30: {  	s22 =	rddreg [dreg:$0xe]  }
0x31: {  	[tilespmem:s28], [sflag:$0x8] =	stream.linear.gather [hbm4b:s22+s6], $0x50, $0x38;
	[tilespmem:$0x1E6E0] =	vst v63  }
0x32: {  	s23 =	rddreg [dreg:$0xf]  }
0x33: {  	[tilespmem:s29], [sflag:$0x6] =	stream.linear.gather [hbm4b:s23+s6], $0x50, $0x38;
	[tilespmem:$0x1E6E0] =	vst v63  }
0x34: {  	s24 =	rddreg [dreg:$0x10]  }
0x35: {  	[tilespmem:s30], [sflag:$0x9] =	stream.linear.gather [hbm4b:s24+s6], $0x50, $0x38;
	[tilespmem:$0x1E6E0] =	vst v63  }
0x36: {  	_ =	swait.ge [sflag:s31], $0x50  }
0x37: {  	[sflag:s31] =	ssyncset.done $0x0  }
0x38: {  	[sflag:s31] =	ssyncadd.s32 $0xFFFFFFB0  }
0x39: {  	[tilespmem:s0], [sflag:$0x1] =	stream.indirect.gather [hbm4b:s1+s26], $0x80, s6, s26, $0xb8;
	[tilespmem:$0x1E6E0] =	vst v63  }
0x3a: {  	_ =	swait.ge [sflag:s3], $0x50  }
0x3b: {  	[sflag:s3] =	ssyncset.done $0x0  }
0x3c: {  	[sflag:s3] =	ssyncadd.s32 $0xFFFFFFB0  }
0x3d: {  	[tilespmem:s8], [sflag:$0x2] =	stream.indirect.gather [hbm4b:s1+s26], $0x80, s26, s26, $0xb8;
	[tilespmem:$0x1E6E0] =	vst v63  }
0x3e: {  	s22 =	stileid.u32;
	_ =	swait.ge [sflag:s9], $0x50  }
0x3f: {  	s7 =	sshll.u32 s22, $0x6;
	[sflag:s9] =	ssyncset.done $0x0;
	s23 =	rddreg [dreg:$0x11]  }
0x40: {  	s24 =	rddreg [dreg:$0x12];
	[sflag:s9] =	ssyncadd.s32 $0xFFFFFFB0;
	s23 =	sshrl.u32 s23, $0x3  }
0x41: {  	[tilespmem:s10], [sflag:$0x3] =	stream.indirect.gather [hbm4b:s1+s26], $0x80, s29, s26, $0xb8;
	[tilespmem:$0x1E6E0] =	vst v63  }
0x42: {  	s22 =	sor.u32 $0x1C0C, s7;
	[dreg:$0x1e] =	wrdreg s23  }
0x43: {  	[spmem:s23], [sflag:s22] =	dma.local [hbm:s24], $0x2800  }
0x44: {  	_ =	swait.ge [sflag:s11], $0x2800;
	[dreg:$0x1d] =	wrdreg s22  }
0x45: {  	s24 =	rddreg [dreg:$0x13]  }
0x46: {  	[sflag:s11] =	ssyncset.done $0x0;
	s7 =	sshrl.u32 s24, $0x3;
	s24 =	rddreg [dreg:$0x14]  }
0x47: {  	[sflag:s11] =	ssyncadd.s32 $0xFFFFD800;
	[dreg:$0x1f] =	wrdreg s7  }
0x48: {  	[spmem:s7], [sflag:s22] =	dma.local [hbm:s24], $0x500  }
0x49: {  	_ =	swait.ge [sflag:s11], $0x500  }
0x4a: {  	[sflag:s11] =	ssyncset.done $0x0  }
0x4b: {  	s23 =	simm.s32 $0x0;
	s7 =	simm.s32 $0x40;
	[sflag:s11] =	ssyncadd.s32 $0xFFFFFB00  }
.LBB2_2:
0x4c: {  	p0 =	sne.s32 s7, $0x13C0;
	[tilespmem:s23+$0x79E0] =	vst v0;
	s23 =	smov.u32 s7;
	s7 =	sadd.s32 $0x40, s7  }
.Ltmp0:
0x4d: {  	(pc) =	sbr.rel @p0 .LBB2_2-.Ltmp0, $2  }
0x4e: {  	_ =	sdelay $0x2  }
0x4f: {  	s23 =	sshra.s32 s23, $0x2  }
0x50: {  	[tilespmem:s23+$0x79E0] =	vst v0  }
0x51: {  	[bflag:$0x0] =	sbarrier.arrive $0xFFFF  }
0x52: {  	_ =	swait.ge [sflag:s12], $0x2800  }
0x53: {  	s22 =	rddreg [dreg:$0x1c]  }
0x54: {  	[sflag:s12] =	ssyncset.done $0x0;
	s7 =	sshrl.u32 s22, $0x3  }
0x55: {  	[sflag:s12] =	ssyncadd.s32 $0xFFFFD800;
	s7 =	sadd.s32 s2, s7  }
0x56: {  	[tilespmem:s6], [sflag:$0x4] =	stream.linear.gather [hbm4b:s7+s6], $0x50, $0x38;
	[tilespmem:$0x1E6E0] =	vst v63  }
0x57: {  	_ =	swait.ge [sflag:s13], $0x50  }
0x58: {  	[sflag:s13] =	ssyncset.done $0x0  }
0x59: {  	[sflag:s13] =	ssyncadd.s32 $0xFFFFFFB0  }
0x5a: {  	[spmem:s4] =	stream.indirect.scatter.add.f32 [tilespmem:s0], [sflag:$0xA], $0x80, s25, s26, $0xb8;
	[tilespmem:$0x1E6E0] =	vst v63  }
0x5b: {  	_ = 	snop  }
0x5c: {  	[spmem:s5] =	stream.indirect.scatter.add.f32 [tilespmem:s14], [sflag:$0xB], $0x10, s25, s26, $0xb8;
	[tilespmem:$0x1E6E0] =	vst v63  }
0x5d: {  	_ =	swait.ge [sflag:s15], $0x2800  }
0x5e: {  	[sflag:s15] =	ssyncset.done $0x0  }
0x5f: {  	[sflag:s15] =	ssyncadd.s32 $0xFFFFD800  }
0x60: {  	_ =	swait.ge [sflag:s31], $0x50  }
0x61: {  	[sflag:s31] =	ssyncset.done $0x0  }
0x62: {  	[sflag:s31] =	ssyncadd.s32 $0xFFFFFFB0  }
0x63: {  	[tilespmem:s0], [sflag:$0x1] =	stream.indirect.gather [hbm4b:s1+s26], $0x80, s6, s26, $0xb8;
	[tilespmem:$0x1E6E0] =	vst v63  }
0x64: {  	_ =	swait.ge [sflag:s16], $0x500  }
0x65: {  	s23 =	rddreg [dreg:$0xa];
	[sflag:s16] =	ssyncset.done $0x0  }
0x66: {  	[sflag:s16] =	ssyncadd.s32 $0xFFFFFB00;
	s7 =	sadd.s32 $0x0, s23  }
0x67: {  	[tilespmem:s25], [sflag:$0x7] =	stream.linear.gather [hbm4b:s7+s6], $0x50, $0x38;
	[tilespmem:$0x1E6E0] =	vst v63  }
0x68: {  	_ =	swait.ge [sflag:s17], $0x2800  }
0x69: {  	s24 =	rddreg [dreg:$0x8];
	[sflag:s17] =	ssyncset.done $0x0  }
0x6a: {  	[sflag:s17] =	ssyncadd.s32 $0xFFFFD800;
	s7 =	sadd.s32 $0x0, s24  }
0x6b: {  	[tilespmem:s26], [sflag:$0x5] =	stream.linear.gather [hbm4b:s7+s6], $0x50, $0x38;
	[tilespmem:$0x1E6E0] =	vst v63  }
0x6c: {  	_ =	swait.ge [sflag:s18], $0x50  }
0x6d: {  	[sflag:s18] =	ssyncset.done $0x0  }
0x6e: {  	[sflag:s18] =	ssyncadd.s32 $0xFFFFFFB0  }
0x6f: {  	[spmem:s4] =	stream.indirect.scatter.add.f32 [tilespmem:s8], [sflag:$0xA], $0x80, s28, s26, $0xb8;
	[tilespmem:$0x1E6E0] =	vst v63  }
0x70: {  	_ = 	snop  }
0x71: {  	[spmem:s5] =	stream.indirect.scatter.add.f32 [tilespmem:s14], [sflag:$0xB], $0x10, s28, s26, $0xb8;
	[tilespmem:$0x1E6E0] =	vst v63  }
0x72: {  	_ =	swait.ge [sflag:s15], $0x2800  }
0x73: {  	[sflag:s15] =	ssyncset.done $0x0  }
0x74: {  	[sflag:s15] =	ssyncadd.s32 $0xFFFFD800  }
0x75: {  	_ =	swait.ge [sflag:s3], $0x50  }
0x76: {  	[sflag:s3] =	ssyncset.done $0x0  }
0x77: {  	[sflag:s3] =	ssyncadd.s32 $0xFFFFFFB0  }
0x78: {  	[tilespmem:s8], [sflag:$0x2] =	stream.indirect.gather [hbm4b:s1+s26], $0x80, s26, s26, $0xb8;
	[tilespmem:$0x1E6E0] =	vst v63  }
0x79: {  	_ =	swait.ge [sflag:s16], $0x500  }
0x7a: {  	s23 =	rddreg [dreg:$0x9];
	[sflag:s16] =	ssyncset.done $0x0  }
0x7b: {  	[sflag:s16] =	ssyncadd.s32 $0xFFFFFB00;
	s7 =	sadd.s32 $0x0, s23  }
0x7c: {  	[tilespmem:s28], [sflag:$0x8] =	stream.linear.gather [hbm4b:s7+s6], $0x50, $0x38;
	[tilespmem:$0x1E6E0] =	vst v63  }
0x7d: {  	_ =	swait.ge [sflag:s19], $0x2800  }
0x7e: {  	s24 =	rddreg [dreg:$0x6];
	[sflag:s19] =	ssyncset.done $0x0  }
0x7f: {  	[sflag:s19] =	ssyncadd.s32 $0xFFFFD800;
	s7 =	sadd.s32 $0x0, s24  }
0x80: {  	[tilespmem:s29], [sflag:$0x6] =	stream.linear.gather [hbm4b:s7+s6], $0x50, $0x38;
	[tilespmem:$0x1E6E0] =	vst v63  }
0x81: {  	_ =	swait.ge [sflag:s20], $0x50  }
0x82: {  	[sflag:s20] =	ssyncset.done $0x0  }
0x83: {  	[sflag:s20] =	ssyncadd.s32 $0xFFFFFFB0  }
0x84: {  	[spmem:s4] =	stream.indirect.scatter.add.f32 [tilespmem:s10], [sflag:$0xA], $0x80, s30, s26, $0xb8;
	[tilespmem:$0x1E6E0] =	vst v63  }
0x85: {  	_ = 	snop  }
0x86: {  	[spmem:s5] =	stream.indirect.scatter.add.f32 [tilespmem:s14], [sflag:$0xB], $0x10, s30, s26, $0xb8;
	[tilespmem:$0x1E6E0] =	vst v63  }
0x87: {  	_ =	swait.ge [sflag:s15], $0x2800  }
0x88: {  	[sflag:s15] =	ssyncset.done $0x0  }
0x89: {  	[sflag:s15] =	ssyncadd.s32 $0xFFFFD800  }
0x8a: {  	_ =	swait.ge [sflag:s9], $0x50  }
0x8b: {  	[sflag:s9] =	ssyncset.done $0x0  }
0x8c: {  	[sflag:s9] =	ssyncadd.s32 $0xFFFFFFB0  }
0x8d: {  	[tilespmem:s10], [sflag:$0x3] =	stream.indirect.gather [hbm4b:s1+s26], $0x80, s29, s26, $0xb8;
	[tilespmem:$0x1E6E0] =	vst v63  }
0x8e: {  	_ =	swait.ge [sflag:s16], $0x500  }
0x8f: {  	s24 =	simm.s32 $0x1E;
	s23 =	rddreg [dreg:$0x7];
	[sflag:s16] =	ssyncset.done $0x0  }
0x90: {  	[sflag:s16] =	ssyncadd.s32 $0xFFFFFB00;
	s7 =	sadd.s32 $0x0, s23;
	s23 =	sadd.s32 $0xF0, s22  }
.LBB2_4:
0x91: {  	[tilespmem:s30], [sflag:$0x9] =	stream.linear.gather [hbm4b:s7+s6], $0x50, $0x38;
	[tilespmem:$0x1E6E0] =	vst v63  }
0x92: {  	_ =	swait.ge [sflag:s12], $0x2800  }
0x93: {  	s22 =	sshrl.u32 s23, $0x3;
	[sflag:s12] =	ssyncset.done $0x0  }
0x94: {  	s22 =	sadd.s32 s2, s22;
	[sflag:s12] =	ssyncadd.s32 $0xFFFFD800  }
0x95: {  	[tilespmem:s6], [sflag:$0x4] =	stream.linear.gather [hbm4b:s22+s6], $0x50, $0x38;
	[tilespmem:$0x1E6E0] =	vst v63  }
0x96: {  	_ =	swait.ge [sflag:s13], $0x50  }
0x97: {  	[sflag:s13] =	ssyncset.done $0x0  }
0x98: {  	[sflag:s13] =	ssyncadd.s32 $0xFFFFFFB0  }
0x99: {  	[spmem:s4] =	stream.indirect.scatter.add.f32 [tilespmem:s0], [sflag:$0xA], $0x80, s25, s26, $0xb8;
	[tilespmem:$0x1E6E0] =	vst v63  }
0x9a: {  	_ = 	snop  }
0x9b: {  	[spmem:s5] =	stream.indirect.scatter.add.f32 [tilespmem:s14], [sflag:$0xB], $0x10, s25, s26, $0xb8;
	[tilespmem:$0x1E6E0] =	vst v63  }
0x9c: {  	_ =	swait.ge [sflag:s15], $0x2800  }
0x9d: {  	[sflag:s15] =	ssyncset.done $0x0  }
0x9e: {  	[sflag:s15] =	ssyncadd.s32 $0xFFFFD800  }
0x9f: {  	_ =	swait.ge [sflag:s31], $0x50  }
0xa0: {  	[sflag:s31] =	ssyncset.done $0x0  }
0xa1: {  	[sflag:s31] =	ssyncadd.s32 $0xFFFFFFB0  }
0xa2: {  	[tilespmem:s0], [sflag:$0x1] =	stream.indirect.gather [hbm4b:s1+s26], $0x80, s6, s26, $0xb8;
	[tilespmem:$0x1E6E0] =	vst v63  }
0xa3: {  	_ =	swait.ge [sflag:s16], $0x500  }
0xa4: {  	s7 =	smov.u32 s24;
	s22 =	rddreg [dreg:$0xa];
	[sflag:s16] =	ssyncset.done $0x0  }
0xa5: {  	[sflag:s16] =	ssyncadd.s32 $0xFFFFFB00;
	s22 =	sadd.s32 s7, s22  }
0xa6: {  	[tilespmem:s25], [sflag:$0x7] =	stream.linear.gather [hbm4b:s22+s6], $0x50, $0x38;
	[tilespmem:$0x1E6E0] =	vst v63  }
0xa7: {  	_ =	swait.ge [sflag:s17], $0x2800  }
0xa8: {  	s22 =	rddreg [dreg:$0x8];
	[sflag:s17] =	ssyncset.done $0x0  }
0xa9: {  	[sflag:s17] =	ssyncadd.s32 $0xFFFFD800;
	s22 =	sadd.s32 s7, s22  }
0xaa: {  	[tilespmem:s26], [sflag:$0x5] =	stream.linear.gather [hbm4b:s22+s6], $0x50, $0x38;
	[tilespmem:$0x1E6E0] =	vst v63  }
0xab: {  	_ =	swait.ge [sflag:s18], $0x50  }
0xac: {  	[sflag:s18] =	ssyncset.done $0x0  }
0xad: {  	[sflag:s18] =	ssyncadd.s32 $0xFFFFFFB0  }
0xae: {  	[spmem:s4] =	stream.indirect.scatter.add.f32 [tilespmem:s8], [sflag:$0xA], $0x80, s28, s26, $0xb8;
	[tilespmem:$0x1E6E0] =	vst v63  }
0xaf: {  	_ = 	snop  }
0xb0: {  	[spmem:s5] =	stream.indirect.scatter.add.f32 [tilespmem:s14], [sflag:$0xB], $0x10, s28, s26, $0xb8;
	[tilespmem:$0x1E6E0] =	vst v63  }
0xb1: {  	_ =	swait.ge [sflag:s15], $0x2800  }
0xb2: {  	[sflag:s15] =	ssyncset.done $0x0  }
0xb3: {  	[sflag:s15] =	ssyncadd.s32 $0xFFFFD800  }
0xb4: {  	_ =	swait.ge [sflag:s3], $0x50  }
0xb5: {  	[sflag:s3] =	ssyncset.done $0x0  }
0xb6: {  	[sflag:s3] =	ssyncadd.s32 $0xFFFFFFB0  }
0xb7: {  	[tilespmem:s8], [sflag:$0x2] =	stream.indirect.gather [hbm4b:s1+s26], $0x80, s26, s26, $0xb8;
	[tilespmem:$0x1E6E0] =	vst v63  }
0xb8: {  	_ =	swait.ge [sflag:s16], $0x500  }
0xb9: {  	s22 =	rddreg [dreg:$0x9];
	[sflag:s16] =	ssyncset.done $0x0  }
0xba: {  	[sflag:s16] =	ssyncadd.s32 $0xFFFFFB00;
	s22 =	sadd.s32 s7, s22  }
0xbb: {  	[tilespmem:s28], [sflag:$0x8] =	stream.linear.gather [hbm4b:s22+s6], $0x50, $0x38;
	[tilespmem:$0x1E6E0] =	vst v63  }
0xbc: {  	_ =	swait.ge [sflag:s19], $0x2800  }
0xbd: {  	s22 =	rddreg [dreg:$0x6];
	[sflag:s19] =	ssyncset.done $0x0  }
0xbe: {  	[sflag:s19] =	ssyncadd.s32 $0xFFFFD800;
	s22 =	sadd.s32 s7, s22  }
0xbf: {  	[tilespmem:s29], [sflag:$0x6] =	stream.linear.gather [hbm4b:s22+s6], $0x50, $0x38;
	[tilespmem:$0x1E6E0] =	vst v63  }
0xc0: {  	_ =	swait.ge [sflag:s20], $0x50  }
0xc1: {  	[sflag:s20] =	ssyncset.done $0x0  }
0xc2: {  	[sflag:s20] =	ssyncadd.s32 $0xFFFFFFB0  }
0xc3: {  	[spmem:s4] =	stream.indirect.scatter.add.f32 [tilespmem:s10], [sflag:$0xA], $0x80, s30, s26, $0xb8;
	[tilespmem:$0x1E6E0] =	vst v63  }
0xc4: {  	_ = 	snop  }
0xc5: {  	[spmem:s5] =	stream.indirect.scatter.add.f32 [tilespmem:s14], [sflag:$0xB], $0x10, s30, s26, $0xb8;
	[tilespmem:$0x1E6E0] =	vst v63  }
0xc6: {  	_ =	swait.ge [sflag:s15], $0x2800  }
0xc7: {  	[sflag:s15] =	ssyncset.done $0x0  }
0xc8: {  	[sflag:s15] =	ssyncadd.s32 $0xFFFFD800  }
0xc9: {  	_ =	swait.ge [sflag:s9], $0x50  }
0xca: {  	p0 =	sne.s32 s24, $0x492;
	[sflag:s9] =	ssyncset.done $0x0  }
.Ltmp1:
0xcb: {  	[sflag:s9] =	ssyncadd.s32 $0xFFFFFFB0;
	(pc) =	sbr.rel @p0 .LBB2_4-.Ltmp1, $4  }
0xcc: {  	[tilespmem:s10], [sflag:$0x3] =	stream.indirect.gather [hbm4b:s1+s26], $0x80, s29, s26, $0xb8;
	[tilespmem:$0x1E6E0] =	vst v63  }
0xcd: {  	_ =	swait.ge [sflag:s16], $0x500  }
0xce: {  	s24 =	sadd.s32 $0x1E, s24;
	[sflag:s16] =	ssyncset.done $0x0;
	s22 =	rddreg [dreg:$0x7]  }
0xcf: {  	s23 =	sadd.s32 $0xF0, s23;
	[sflag:s16] =	ssyncadd.s32 $0xFFFFFB00;
	s7 =	sadd.s32 s7, s22  }
0xd0: {  	[tilespmem:s30], [sflag:$0x9] =	stream.linear.gather [hbm4b:s7+s6], $0x50, $0x38;
	[tilespmem:$0x1E6E0] =	vst v63  }
0xd1: {  	_ =	swait.ge [sflag:s12], $0x2800  }
0xd2: {  	[sflag:s12] =	ssyncset.done $0x0  }
0xd3: {  	s23 =	rddreg [dreg:$0x15];
	[sflag:s12] =	ssyncadd.s32 $0xFFFFD800  }
0xd4: {  	[tilespmem:s6], [sflag:$0x4] =	stream.linear.gather [hbm4b:s23+s6], $0x50, $0x38;
	[tilespmem:$0x1E6E0] =	vst v63  }
0xd5: {  	_ =	swait.ge [sflag:s13], $0x50  }
0xd6: {  	[sflag:s13] =	ssyncset.done $0x0  }
0xd7: {  	[sflag:s13] =	ssyncadd.s32 $0xFFFFFFB0  }
0xd8: {  	[spmem:s4] =	stream.indirect.scatter.add.f32 [tilespmem:s0], [sflag:$0xA], $0x80, s25, s26, $0xb8;
	[tilespmem:$0x1E6E0] =	vst v63  }
0xd9: {  	_ = 	snop  }
0xda: {  	[spmem:s5] =	stream.indirect.scatter.add.f32 [tilespmem:s14], [sflag:$0xB], $0x10, s25, s26, $0xb8;
	[tilespmem:$0x1E6E0] =	vst v63  }
0xdb: {  	_ =	swait.ge [sflag:s15], $0x2800  }
0xdc: {  	[sflag:s15] =	ssyncset.done $0x0  }
0xdd: {  	[sflag:s15] =	ssyncadd.s32 $0xFFFFD800  }
0xde: {  	_ =	swait.ge [sflag:s31], $0x50  }
0xdf: {  	[sflag:s31] =	ssyncset.done $0x0  }
0xe0: {  	[sflag:s31] =	ssyncadd.s32 $0xFFFFFFB0  }
0xe1: {  	[tilespmem:s0], [sflag:$0x1] =	stream.indirect.gather [hbm4b:s1+s26], $0x80, s6, s26, $0xb8;
	[tilespmem:$0x1E6E0] =	vst v63  }
0xe2: {  	_ =	swait.ge [sflag:s16], $0x500  }
0xe3: {  	[sflag:s16] =	ssyncset.done $0x0  }
0xe4: {  	s24 =	rddreg [dreg:$0x17];
	[sflag:s16] =	ssyncadd.s32 $0xFFFFFB00  }
0xe5: {  	[tilespmem:s25], [sflag:$0x7] =	stream.linear.gather [hbm4b:s24+s6], $0x50, $0x38;
	[tilespmem:$0x1E6E0] =	vst v63  }
0xe6: {  	_ =	swait.ge [sflag:s17], $0x2800  }
0xe7: {  	[sflag:s17] =	ssyncset.done $0x0  }
0xe8: {  	s22 =	rddreg [dreg:$0x19];
	[sflag:s17] =	ssyncadd.s32 $0xFFFFD800  }
0xe9: {  	[tilespmem:s26], [sflag:$0x5] =	stream.linear.gather [hbm4b:s22+s6], $0x50, $0x38;
	[tilespmem:$0x1E6E0] =	vst v63  }
0xea: {  	_ =	swait.ge [sflag:s18], $0x50  }
0xeb: {  	[sflag:s18] =	ssyncset.done $0x0  }
0xec: {  	[sflag:s18] =	ssyncadd.s32 $0xFFFFFFB0  }
0xed: {  	[spmem:s4] =	stream.indirect.scatter.add.f32 [tilespmem:s8], [sflag:$0xA], $0x80, s28, s26, $0xb8;
	[tilespmem:$0x1E6E0] =	vst v63  }
0xee: {  	_ = 	snop  }
0xef: {  	[spmem:s5] =	stream.indirect.scatter.add.f32 [tilespmem:s14], [sflag:$0xB], $0x10, s28, s26, $0xb8;
	[tilespmem:$0x1E6E0] =	vst v63  }
0xf0: {  	_ =	swait.ge [sflag:s15], $0x2800  }
0xf1: {  	[sflag:s15] =	ssyncset.done $0x0  }
0xf2: {  	[sflag:s15] =	ssyncadd.s32 $0xFFFFD800  }
0xf3: {  	_ =	swait.ge [sflag:s3], $0x50  }
0xf4: {  	[sflag:s3] =	ssyncset.done $0x0  }
0xf5: {  	[sflag:s3] =	ssyncadd.s32 $0xFFFFFFB0  }
0xf6: {  	[tilespmem:s8], [sflag:$0x2] =	stream.indirect.gather [hbm4b:s1+s26], $0x80, s26, s26, $0xb8;
	[tilespmem:$0x1E6E0] =	vst v63  }
0xf7: {  	_ =	swait.ge [sflag:s16], $0x500  }
0xf8: {  	[sflag:s16] =	ssyncset.done $0x0  }
0xf9: {  	s23 =	rddreg [dreg:$0x1a];
	[sflag:s16] =	ssyncadd.s32 $0xFFFFFB00  }
0xfa: {  	[tilespmem:s28], [sflag:$0x8] =	stream.linear.gather [hbm4b:s23+s6], $0x50, $0x38;
	[tilespmem:$0x1E6E0] =	vst v63  }
0xfb: {  	_ =	swait.ge [sflag:s19], $0x2800  }
0xfc: {  	[sflag:s19] =	ssyncset.done $0x0  }
0xfd: {  	[sflag:s19] =	ssyncadd.s32 $0xFFFFD800  }
0xfe: {  	_ =	swait.ge [sflag:s20], $0x50  }
0xff: {  	[sflag:s20] =	ssyncset.done $0x0  }
0x100: {  	[sflag:s20] =	ssyncadd.s32 $0xFFFFFFB0  }
0x101: {  	[spmem:s4] =	stream.indirect.scatter.add.f32 [tilespmem:s10], [sflag:$0xA], $0x80, s30, s26, $0xb8;
	[tilespmem:$0x1E6E0] =	vst v63  }
0x102: {  	_ = 	snop  }
0x103: {  	[spmem:s5] =	stream.indirect.scatter.add.f32 [tilespmem:s14], [sflag:$0xB], $0x10, s30, s26, $0xb8;
	[tilespmem:$0x1E6E0] =	vst v63  }
0x104: {  	_ =	swait.ge [sflag:s15], $0x2800  }
0x105: {  	[sflag:s15] =	ssyncset.done $0x0  }
0x106: {  	[sflag:s15] =	ssyncadd.s32 $0xFFFFD800  }
0x107: {  	_ =	swait.ge [sflag:s16], $0x500  }
0x108: {  	[sflag:s16] =	ssyncset.done $0x0  }
0x109: {  	[sflag:s16] =	ssyncadd.s32 $0xFFFFFB00  }
0x10a: {  	_ =	swait.ge [sflag:s12], $0x2800  }
0x10b: {  	[sflag:s12] =	ssyncset.done $0x0  }
0x10c: {  	[sflag:s12] =	ssyncadd.s32 $0xFFFFD800  }
0x10d: {  	_ =	swait.ge [sflag:s13], $0x50  }
0x10e: {  	[sflag:s13] =	ssyncset.done $0x0  }
0x10f: {  	[sflag:s13] =	ssyncadd.s32 $0xFFFFFFB0  }
0x110: {  	[spmem:s4] =	stream.indirect.scatter.add.f32 [tilespmem:s0], [sflag:$0xA], $0x80, s25, s26, $0xb8;
	[tilespmem:$0x1E6E0] =	vst v63  }
0x111: {  	_ = 	snop  }
0x112: {  	[spmem:s5] =	stream.indirect.scatter.add.f32 [tilespmem:s14], [sflag:$0xB], $0x10, s25, s26, $0xb8;
	[tilespmem:$0x1E6E0] =	vst v63  }
0x113: {  	_ =	swait.ge [sflag:s15], $0x2800  }
0x114: {  	[sflag:s15] =	ssyncset.done $0x0  }
0x115: {  	[sflag:s15] =	ssyncadd.s32 $0xFFFFD800  }
0x116: {  	_ =	swait.ge [sflag:s16], $0x500  }
0x117: {  	[sflag:s16] =	ssyncset.done $0x0  }
0x118: {  	[sflag:s16] =	ssyncadd.s32 $0xFFFFFB00  }
0x119: {  	_ =	swait.ge [sflag:s17], $0x2800  }
0x11a: {  	[sflag:s17] =	ssyncset.done $0x0  }
0x11b: {  	[sflag:s17] =	ssyncadd.s32 $0xFFFFD800  }
0x11c: {  	_ =	swait.ge [sflag:s18], $0x50  }
0x11d: {  	[sflag:s18] =	ssyncset.done $0x0  }
0x11e: {  	[sflag:s18] =	ssyncadd.s32 $0xFFFFFFB0  }
0x11f: {  	[spmem:s4] =	stream.indirect.scatter.add.f32 [tilespmem:s8], [sflag:$0xA], $0x80, s28, s26, $0xb8;
	[tilespmem:$0x1E6E0] =	vst v63  }
0x120: {  	_ = 	snop  }
0x121: {  	[spmem:s5] =	stream.indirect.scatter.add.f32 [tilespmem:s14], [sflag:$0xB], $0x10, s28, s26, $0xb8;
	[tilespmem:$0x1E6E0] =	vst v63  }
0x122: {  	_ =	swait.ge [sflag:s15], $0x2800  }
0x123: {  	[sflag:s15] =	ssyncset.done $0x0  }
0x124: {  	[sflag:s15] =	ssyncadd.s32 $0xFFFFD800  }
0x125: {  	_ =	swait.ge [sflag:s16], $0x500  }
0x126: {  	[sflag:s16] =	ssyncset.done $0x0  }
0x127: {  	[sflag:s16] =	ssyncadd.s32 $0xFFFFFB00  }
0x128: {  	[bflag:$0x0] =	sbarrier.arrive $0xFFFF  }
0x129: {  	s24 =	rddreg [dreg:$0x16]  }
0x12a: {  	s22 =	rddreg [dreg:$0x1d]  }
0x12b: {  	s23 =	rddreg [dreg:$0x1e]  }
0x12c: {  	[hbm:s24], [sflag:s22] =	dma.local [spmem:s23], $0x2800  }
0x12d: {  	_ =	swait.ge [sflag:s11], $0x2800  }
0x12e: {  	[sflag:s11] =	ssyncset.done $0x0;
	s23 =	rddreg [dreg:$0x18]  }
0x12f: {  	s24 =	rddreg [dreg:$0x1f];
	[sflag:s11] =	ssyncadd.s32 $0xFFFFD800  }
0x130: {  	[hbm:s23], [sflag:s22] =	dma.local [spmem:s24], $0x500  }
0x131: {  	_ =	swait.ge [sflag:s11], $0x500  }
0x132: {  	s21 =	sadd.s32 $0x1, s21;
	s24 =	rddreg [dreg:$0x1b]  }
0x133: {  	p0 =	sne.s32 s21, s24  }
.Ltmp2:
0x134: {  	_ = 	snop;
	(pc) =	sbr.rel @p0 .LBB2_1-.Ltmp2, $3  }
0x135: {  	_ =	sdelay $0x1  }
0x136: {  	[sflag:s11] =	ssyncset.done $0x0  }
0x137: {  	[sflag:s11] =	ssyncadd.s32 $0xFFFFFB00  }
0x138: {  	_ =	sfence.sel $0x180000  }
0x139: {  	[bflag:$0x0] =	sbarrier.arrive $0xFFFF  }
0x13a: {  	_ =	strace $0x90000047  }
0x13b: {  	s0 =	stileid.u32;
	[bflag:$0x2] =	sbarrier.arrive $0xFFFF  }
0x13c: {  	p0 =	sne.s32 s0, $0x0;
	s0 =	rddreg [dreg:$0x5]  }
0x13d: {  	s0 =	sadd.s32 @!p0 $0x100000, s0  }
0x13e: {  	[sflag:s0] =	ssyncadd.tile.s32 @!p0 $0x1;
	_ =	shalt  }
.Lfunc_end2:
_tile_overlayer_lowered:
.L_overlay_start_2:
0x13f: {  	(tag) =	ssettag $0x2  }
0x140: {  	s0 =	rddreg [dreg:$0x0];
	s2 =	stileid.u32  }
0x141: {  	s1 =	rddreg [dreg:$0x1];
	p0 =	sne.s32 s2, $0x0  }
0x142: {  	s3 =	rddreg [dreg:$0x2];
	[bflag:$0x3] =	sbarrier.arrive $0xFFFF;
	s2 =	simm.s32 @!p0 $0x1C0C  }
0x143: {  	[timem:s3], [sflag:s2] =	dma.local @!p0 [hbm:s0], s1  }
0x144: {  	s0 =	simm.s32 @!p0 $0xC  }
0x145: {  	_ =	swait.ge @!p0 [sflag:s0], s1  }
0x146: {  	s1 =	ssub.s32 @!p0 $0x0, s1;
	[sflag:s0] =	ssyncset.done @!p0 $0x0  }
0x147: {  	[sflag:s0] =	ssyncadd.s32 @!p0 s1  }
0x148: {  	[bflag:$0x3] =	sbarrier.arrive $0xFFFF  }
0x149: {  	_ =	shalt  }

</sc_bundles>
